<compile_context>
chip_gen: v7x
topology: tpu7x:2x2x1
jax: 0.10.2.dev20260603
libtpu: 0.0.44.dev20260713+nightly
codegen_flags: <defaults>
</compile_context>

<pallas_src>
import functools

import jax
import jax.numpy as jnp
from jax import lax
from jax.experimental import pallas as pl
from jax.experimental.pallas import tpu as pltpu
from jax.experimental.pallas import tpu_sc as plsc

_D = 128
_SCALE = float(_D) ** 0.5
_NC = 2
_NS = 16
_NW = _NC * _NS
_CHUNK = 128
_NBUF = 5
_K = 2


@functools.partial(jax.jit, static_argnums=(2,))
def _sc_gather(table, idx2, nchunk):
    nb = _NW * _CHUNK
    b_total = nchunk * nb
    mesh = plsc.VectorSubcoreMesh(
        core_axis_name="c", subcore_axis_name="s",
        num_cores=_NC, num_subcores=_NS)

    @functools.partial(
        pl.kernel,
        out_type=jax.ShapeDtypeStruct((b_total, _D), jnp.float32),
        mesh=mesh,
        compiler_params=pltpu.CompilerParams(use_tc_tiling_on_sc=True),
        scratch_types=(
            [pltpu.VMEM((nchunk, _CHUNK), jnp.int32)]
            + [pltpu.VMEM((_CHUNK, _D), jnp.float32) for _ in range(_NBUF)]
            + [pltpu.SemaphoreType.DMA for _ in range(2 * _NBUF)]
        ),
    )
    def gather_kernel(table_hbm, idx_hbm, out_hbm, idx_v, *rest):
        bufs = rest[:_NBUF]
        gsems = rest[_NBUF:2 * _NBUF]
        ssems = rest[2 * _NBUF:]
        wid = lax.axis_index("s") * _NC + lax.axis_index("c")
        pltpu.sync_copy(idx_hbm.at[:, pl.ds(wid * _CHUNK, _CHUNK)], idx_v)

        def out_slice(g):
            return out_hbm.at[pl.ds(g * nb + wid * _CHUNK, _CHUNK)]

        for j in range(_NBUF - _K):
            pltpu.async_copy(table_hbm.at[idx_v.at[j]], bufs[j], gsems[j])

        def slot(g, j):
            k = (j - _K) % _NBUF

            @pl.when(g >= _K)
            def _():
                pltpu.make_async_copy(bufs[k], out_slice(g - _K),
                                      ssems[k]).wait()

            @pl.when(g + _NBUF - _K < nchunk)
            def _():
                pltpu.async_copy(table_hbm.at[idx_v.at[g + _NBUF - _K]],
                                 bufs[k], gsems[k])

            pltpu.make_async_copy(table_hbm.at[idx_v.at[g]], bufs[j],
                                  gsems[j]).wait()
            buf = bufs[j]

            @plsc.parallel_loop(0, _CHUNK, unroll=4)
            def _(r):
                for v in range(_D // 16):
                    sl = (r, pl.ds(v * 16, 16))
                    buf[sl] = buf[sl] * _SCALE

            pltpu.async_copy(bufs[j], out_slice(g), ssems[j])

        def round_body(r, carry):
            g0 = r * _NBUF
            for j in range(_NBUF):
                slot(g0 + j, j)
            return carry

        lax.fori_loop(0, nchunk // _NBUF, round_body, 0)

        for g in range(nchunk - _K, nchunk):
            pltpu.make_async_copy(bufs[g % _NBUF], out_slice(g),
                                  ssems[g % _NBUF]).wait()

    return gather_kernel(table, idx2)


def kernel(inputs, lookup_table):
    nbatch, seq = inputs.shape
    idx2 = inputs.T.astype(jnp.int32)
    nchunk = seq
    assert nbatch == _NW * _CHUNK
    assert nchunk % _NBUF == 0 and nchunk >= 2 * _NBUF
    out = _sc_gather(lookup_table, idx2, nchunk)
    return out.reshape(seq, nbatch, _D).transpose(1, 0, 2)

# --- scband reference (transcript-rebuilt; emitter-appended) ---
"""Pipeline reference for scband-embedding-88545045775029 (READ-ONLY COPY).

The authoritative reference and input builder live on the scoring server;
editing this copy changes nothing except your own understanding.
"""

import jax, jax.numpy as jnp
import numpy as np

VOCAB = 100000
NUM_UNITS = 128

def setup_inputs(seed: int = 0) -> dict:
    key = jax.random.key(seed)
    k_idx, k_tab = jax.random.split(key)
    inputs = jax.random.randint(k_idx, (4096, 50), 0, VOCAB, dtype=jnp.int64 if jax.config.read('jax_enable_x64') else jnp.int32)
    # xavier normal init: std = sqrt(2 / (fan_in + fan_out))
    std = float(np.sqrt(2.0 / (VOCAB + NUM_UNITS)))
    lookup_table = jax.random.normal(k_tab, (VOCAB, NUM_UNITS), dtype=jnp.float32) * std
    # zeros_pad: row 0 is zeroed
    lookup_table = lookup_table.at[0, :].set(0.0)
    return {"inputs": inputs, "lookup_table": lookup_table}

def reference(inputs, lookup_table):
    # F.embedding: gather rows of the table. padding_idx only affects gradients,
    # not the forward pass (row 0 is already zero from init).
    outputs = jnp.take(lookup_table, inputs, axis=0)
    # scale=True: multiply by sqrt(num_units)
    outputs = outputs * (NUM_UNITS ** 0.5)
    return outputs

if __name__ == "__main__":
    import jax
    _d = setup_inputs()
    print(jax.jit(kernel)(*tuple(_d.values())))

</pallas_src>

<mosaic_0001>
#map = affine_map<(d0, d1) -> (0, 0)>
module attributes {stable_mosaic.version = 14 : i64} {
  func.func @gather_kernel(%arg0: i32, %arg1: i32, %arg2: memref<100000x128xf32, #tpu.memory_space<hbm>>, %arg3: memref<50x4096xi32, #tpu.memory_space<hbm>>, %arg4: memref<204800x128xf32, #tpu.memory_space<hbm>>, %arg5: memref<50x128xi32, #tpu.memory_space<vmem>>, %arg6: memref<128x128xf32, #tpu.memory_space<vmem>>, %arg7: memref<128x128xf32, #tpu.memory_space<vmem>>, %arg8: memref<128x128xf32, #tpu.memory_space<vmem>>, %arg9: memref<128x128xf32, #tpu.memory_space<vmem>>, %arg10: memref<128x128xf32, #tpu.memory_space<vmem>>, %arg11: memref<!tpu.dma_semaphore, #tpu.memory_space<semaphore_mem>>, %arg12: memref<!tpu.dma_semaphore, #tpu.memory_space<semaphore_mem>>, %arg13: memref<!tpu.dma_semaphore, #tpu.memory_space<semaphore_mem>>, %arg14: memref<!tpu.dma_semaphore, #tpu.memory_space<semaphore_mem>>, %arg15: memref<!tpu.dma_semaphore, #tpu.memory_space<semaphore_mem>>, %arg16: memref<!tpu.dma_semaphore, #tpu.memory_space<semaphore_mem>>, %arg17: memref<!tpu.dma_semaphore, #tpu.memory_space<semaphore_mem>>, %arg18: memref<!tpu.dma_semaphore, #tpu.memory_space<semaphore_mem>>, %arg19: memref<!tpu.dma_semaphore, #tpu.memory_space<semaphore_mem>>, %arg20: memref<!tpu.dma_semaphore, #tpu.memory_space<semaphore_mem>>) attributes {dimension_semantics = [#tpu.dimension_semantics<core_parallel>, #tpu.dimension_semantics<subcore_parallel>], iteration_bounds = array<i64: 2, 16>, scalar_prefetch = 0 : i64, scratch_operands = 16 : i64, tpu.core_type = #tpu.core_type<sc_vector_subcore>, window_params = [{transform_indices = #map}, {transform_indices = #map}, {transform_indices = #map}]} {
    %mul3A = arith.constant 2 : i32
    %mul3A_0 = arith.muli %arg1, %mul3A : i32
    %add3A = arith.addi %mul3A_0, %arg0 : i32
    %mul3A_1 = arith.constant 128 : i32
    %mul3A_2 = arith.muli %add3A, %mul3A_1 : i32
    "tpu.region"() ({
      %run_scoped3A = tpu.sem_alloc : memref<!tpu.dma_semaphore, #tpu.memory_space<semaphore_mem>>
      %dma_start3A_43 = arith.constant 0 : i32
      %dma_start3A_44 = tpu.memref_slice %arg3[%dma_start3A_43, %mul3A_2] : memref<50x4096xi32, #tpu.memory_space<hbm>> -> memref<50x128xi32, #tpu.memory_space<hbm>>
      %dma_start3A_45 = arith.constant 0 : i32
      %dma_start3A_46 = tpu.memref_slice %arg3[%dma_start3A_45, %mul3A_2] : memref<50x4096xi32, #tpu.memory_space<hbm>> -> memref<50x128xi32, #tpu.memory_space<hbm>>
      tpu.enqueue_dma source(%dma_start3A_46 : memref<50x128xi32, #tpu.memory_space<hbm>>) target(%arg5 : memref<50x128xi32, #tpu.memory_space<vmem>>) target_semaphore(%run_scoped3A : memref<!tpu.dma_semaphore, #tpu.memory_space<semaphore_mem>>)
      %dma_wait3A_47 = arith.constant 0 : i32
      %dma_wait3A_48 = tpu.memref_slice %arg3[%dma_wait3A_47, %mul3A_2] : memref<50x4096xi32, #tpu.memory_space<hbm>> -> memref<50x128xi32, #tpu.memory_space<hbm>>
      %dma_wait3A_49 = arith.constant 0 : i32
      %dma_wait3A_50 = tpu.memref_slice %arg3[%dma_wait3A_49, %mul3A_2] : memref<50x4096xi32, #tpu.memory_space<hbm>> -> memref<50x128xi32, #tpu.memory_space<hbm>>
      tpu.wait_dma2 semaphore(%run_scoped3A : memref<!tpu.dma_semaphore, #tpu.memory_space<semaphore_mem>>) src(%dma_wait3A_50 : memref<50x128xi32, #tpu.memory_space<hbm>>) dst(%arg5 : memref<50x128xi32, #tpu.memory_space<vmem>>)
      tpu.yield
    }) : () -> ()
    %dma_start3A = arith.constant 0 : i32
    %dma_start3A_3 = arith.constant 0 : i32
    %dma_start3A_4 = tpu.memref_slice %arg5[%dma_start3A, %dma_start3A_3] : memref<50x128xi32, #tpu.memory_space<vmem>> -> memref<1x128xi32, #tpu.memory_space<vmem>>
    %dma_start3A_5 = tpu.memref_squeeze %dma_start3A_4 : memref<1x128xi32, #tpu.memory_space<vmem>> -> memref<128xi32, #tpu.memory_space<vmem>>
    %dma_start3A_6 = arith.constant 0 : i32
    %dma_start3A_7 = arith.constant 0 : i32
    %dma_start3A_8 = tpu.memref_slice %arg2[%dma_start3A_6, %dma_start3A_7] : memref<100000x128xf32, #tpu.memory_space<hbm>> -> memref<100000x128xf32, #tpu.memory_space<hbm>>
    tpu.enqueue_indirect_dma source(%dma_start3A_8 : memref<100000x128xf32, #tpu.memory_space<hbm>>) target(%arg6 : memref<128x128xf32, #tpu.memory_space<vmem>>) offsets(%dma_start3A_5 : memref<128xi32, #tpu.memory_space<vmem>>) semaphore(%arg11 : memref<!tpu.dma_semaphore, #tpu.memory_space<semaphore_mem>>)
    %dma_start3A_9 = arith.constant 1 : i32
    %dma_start3A_10 = arith.constant 0 : i32
    %dma_start3A_11 = tpu.memref_slice %arg5[%dma_start3A_9, %dma_start3A_10] : memref<50x128xi32, #tpu.memory_space<vmem>> -> memref<1x128xi32, #tpu.memory_space<vmem>>
    %dma_start3A_12 = tpu.memref_squeeze %dma_start3A_11 : memref<1x128xi32, #tpu.memory_space<vmem>> -> memref<128xi32, #tpu.memory_space<vmem>>
    %dma_start3A_13 = arith.constant 0 : i32
    %dma_start3A_14 = arith.constant 0 : i32
    %dma_start3A_15 = tpu.memref_slice %arg2[%dma_start3A_13, %dma_start3A_14] : memref<100000x128xf32, #tpu.memory_space<hbm>> -> memref<100000x128xf32, #tpu.memory_space<hbm>>
    tpu.enqueue_indirect_dma source(%dma_start3A_15 : memref<100000x128xf32, #tpu.memory_space<hbm>>) target(%arg7 : memref<128x128xf32, #tpu.memory_space<vmem>>) offsets(%dma_start3A_12 : memref<128xi32, #tpu.memory_space<vmem>>) semaphore(%arg12 : memref<!tpu.dma_semaphore, #tpu.memory_space<semaphore_mem>>)
    %dma_start3A_16 = arith.constant 2 : i32
    %dma_start3A_17 = arith.constant 0 : i32
    %dma_start3A_18 = tpu.memref_slice %arg5[%dma_start3A_16, %dma_start3A_17] : memref<50x128xi32, #tpu.memory_space<vmem>> -> memref<1x128xi32, #tpu.memory_space<vmem>>
    %dma_start3A_19 = tpu.memref_squeeze %dma_start3A_18 : memref<1x128xi32, #tpu.memory_space<vmem>> -> memref<128xi32, #tpu.memory_space<vmem>>
    %dma_start3A_20 = arith.constant 0 : i32
    %dma_start3A_21 = arith.constant 0 : i32
    %dma_start3A_22 = tpu.memref_slice %arg2[%dma_start3A_20, %dma_start3A_21] : memref<100000x128xf32, #tpu.memory_space<hbm>> -> memref<100000x128xf32, #tpu.memory_space<hbm>>
    tpu.enqueue_indirect_dma source(%dma_start3A_22 : memref<100000x128xf32, #tpu.memory_space<hbm>>) target(%arg8 : memref<128x128xf32, #tpu.memory_space<vmem>>) offsets(%dma_start3A_19 : memref<128xi32, #tpu.memory_space<vmem>>) semaphore(%arg13 : memref<!tpu.dma_semaphore, #tpu.memory_space<semaphore_mem>>)
    %scan3A = arith.constant 0 : i32
    %scan3A_23 = arith.constant 0 : i32
    %scan3A_24 = arith.constant 10 : i32
    %scan3A_25 = arith.addi %scan3A_23, %scan3A_24 : i32
    %scan3A_26 = arith.constant 1 : i32
    scf.for %scan3A_43 = %scan3A_23 to %scan3A_25 step %scan3A_26  : i32 {
      %mul3A_44 = arith.constant 5 : i32
      %mul3A_45 = arith.muli %scan3A_43, %mul3A_44 : i32
      %add3A_46 = arith.constant 0 : i32
      %add3A_47 = arith.addi %mul3A_45, %add3A_46 : i32
      %ge3A = arith.constant 2 : i32
      %ge3A_48 = arith.cmpi sge, %add3A_47, %ge3A : i32
      %convert_element_type3A = arith.extui %ge3A_48 : i1 to i32
      %cond3A = arith.constant 0 : i32
      %cond3A_49 = arith.cmpi ne, %convert_element_type3A, %cond3A : i32
      scf.if %cond3A_49 {
        %sub3A_210 = arith.constant 2 : i32
        %sub3A_211 = arith.subi %add3A_47, %sub3A_210 : i32
        %mul3A_212 = arith.constant 4096 : i32
        %mul3A_213 = arith.muli %sub3A_211, %mul3A_212 : i32
        %mul3A_214 = arith.constant 128 : i32
        %mul3A_215 = arith.muli %add3A, %mul3A_214 : i32
        %add3A_216 = arith.addi %mul3A_213, %mul3A_215 : i32
        %dma_wait3A_217 = arith.constant 0 : i32
        %dma_wait3A_218 = tpu.memref_slice %arg4[%add3A_216, %dma_wait3A_217] : memref<204800x128xf32, #tpu.memory_space<hbm>> -> memref<128x128xf32, #tpu.memory_space<hbm>>
        %dma_wait3A_219 = arith.constant 0 : i32
        %dma_wait3A_220 = tpu.memref_slice %arg4[%add3A_216, %dma_wait3A_219] : memref<204800x128xf32, #tpu.memory_space<hbm>> -> memref<128x128xf32, #tpu.memory_space<hbm>>
        tpu.wait_dma2 semaphore(%arg19 : memref<!tpu.dma_semaphore, #tpu.memory_space<semaphore_mem>>) src(%arg9 : memref<128x128xf32, #tpu.memory_space<vmem>>) dst(%dma_wait3A_220 : memref<128x128xf32, #tpu.memory_space<hbm>>)
      } else {
      }
      %add3A_50 = arith.constant 5 : i32
      %add3A_51 = arith.addi %add3A_47, %add3A_50 : i32
      %sub3A = arith.constant 2 : i32
      %sub3A_52 = arith.subi %add3A_51, %sub3A : i32
      %lt3A = arith.constant 50 : i32
      %lt3A_53 = arith.cmpi slt, %sub3A_52, %lt3A : i32
      %convert_element_type3A_54 = arith.extui %lt3A_53 : i1 to i32
      %cond3A_55 = arith.constant 0 : i32
      %cond3A_56 = arith.cmpi ne, %convert_element_type3A_54, %cond3A_55 : i32
      scf.if %cond3A_56 {
        %add3A_210 = arith.constant 5 : i32
        %add3A_211 = arith.addi %add3A_47, %add3A_210 : i32
        %sub3A_212 = arith.constant 2 : i32
        %sub3A_213 = arith.subi %add3A_211, %sub3A_212 : i32
        %dma_start3A_214 = arith.constant 0 : i32
        %dma_start3A_215 = tpu.memref_slice %arg5[%sub3A_213, %dma_start3A_214] : memref<50x128xi32, #tpu.memory_space<vmem>> -> memref<1x128xi32, #tpu.memory_space<vmem>>
        %dma_start3A_216 = tpu.memref_squeeze %dma_start3A_215 : memref<1x128xi32, #tpu.memory_space<vmem>> -> memref<128xi32, #tpu.memory_space<vmem>>
        %dma_start3A_217 = arith.constant 0 : i32
        %dma_start3A_218 = arith.constant 0 : i32
        %dma_start3A_219 = tpu.memref_slice %arg2[%dma_start3A_217, %dma_start3A_218] : memref<100000x128xf32, #tpu.memory_space<hbm>> -> memref<100000x128xf32, #tpu.memory_space<hbm>>
        tpu.enqueue_indirect_dma source(%dma_start3A_219 : memref<100000x128xf32, #tpu.memory_space<hbm>>) target(%arg9 : memref<128x128xf32, #tpu.memory_space<vmem>>) offsets(%dma_start3A_216 : memref<128xi32, #tpu.memory_space<vmem>>) semaphore(%arg14 : memref<!tpu.dma_semaphore, #tpu.memory_space<semaphore_mem>>)
      } else {
      }
      %dma_wait3A_57 = arith.constant 0 : i32
      %dma_wait3A_58 = tpu.memref_slice %arg5[%add3A_47, %dma_wait3A_57] : memref<50x128xi32, #tpu.memory_space<vmem>> -> memref<1x128xi32, #tpu.memory_space<vmem>>
      %dma_wait3A_59 = tpu.memref_squeeze %dma_wait3A_58 : memref<1x128xi32, #tpu.memory_space<vmem>> -> memref<128xi32, #tpu.memory_space<vmem>>
      %dma_wait3A_60 = arith.constant 0 : i32
      %dma_wait3A_61 = arith.constant 0 : i32
      %dma_wait3A_62 = tpu.memref_slice %arg2[%dma_wait3A_60, %dma_wait3A_61] : memref<100000x128xf32, #tpu.memory_space<hbm>> -> memref<100000x128xf32, #tpu.memory_space<hbm>>
      tpu.wait_indirect_dma semaphore(%arg11 : memref<!tpu.dma_semaphore, #tpu.memory_space<semaphore_mem>>) src(%dma_wait3A_62 : memref<100000x128xf32, #tpu.memory_space<hbm>>) dst(%arg6 : memref<128x128xf32, #tpu.memory_space<vmem>>)
      %parallel_loop3A = arith.constant 0 : i32
      %parallel_loop3A_63 = arith.constant 128 : i32
      %parallel_loop3A_64 = arith.constant 1 : i32
      scf.for %parallel_loop3A_210 = %parallel_loop3A to %parallel_loop3A_63 step %parallel_loop3A_64  : i32 {
        %parallel_loop3A_211 = arith.index_cast %parallel_loop3A_210 : i32 to index
        %parallel_loop3A_212 = arith.constant 0 : index
        %parallel_loop3A_213 = tpu.vector_load %arg6[%parallel_loop3A_211, %parallel_loop3A_212] {strides = array<i32>} : memref<128x128xf32, #tpu.memory_space<vmem>>, vector<1x16xf32>,
        %parallel_loop3A_214 = vector.shape_cast %parallel_loop3A_213 : vector<1x16xf32> to vector<16xf32>
        %parallel_loop3A_215 = arith.constant 11.3137083 : f32
        %parallel_loop3A_216 = vector.broadcast %parallel_loop3A_215 : f32 to vector<16xf32>
        %parallel_loop3A_217 = arith.mulf %parallel_loop3A_214, %parallel_loop3A_216 : vector<16xf32>
        %parallel_loop3A_218 = arith.index_cast %parallel_loop3A_210 : i32 to index
        %parallel_loop3A_219 = arith.constant 0 : index
        %parallel_loop3A_220 = tpu.vector_load %arg6[%parallel_loop3A_218, %parallel_loop3A_219] {strides = array<i32>} : memref<128x128xf32, #tpu.memory_space<vmem>>, vector<1x16xf32>,
        %parallel_loop3A_221 = vector.shape_cast %parallel_loop3A_220 : vector<1x16xf32> to vector<16xf32>
        %parallel_loop3A_222 = vector.shape_cast %parallel_loop3A_217 : vector<16xf32> to vector<1x16xf32>
        tpu.vector_store %arg6[%parallel_loop3A_218, %parallel_loop3A_219], %parallel_loop3A_222 {strides = array<i32>} : memref<128x128xf32, #tpu.memory_space<vmem>>, vector<1x16xf32>,
        %parallel_loop3A_223 = arith.index_cast %parallel_loop3A_210 : i32 to index
        %parallel_loop3A_224 = arith.constant 16 : index
        %parallel_loop3A_225 = tpu.vector_load %arg6[%parallel_loop3A_223, %parallel_loop3A_224] {strides = array<i32>} : memref<128x128xf32, #tpu.memory_space<vmem>>, vector<1x16xf32>,
        %parallel_loop3A_226 = vector.shape_cast %parallel_loop3A_225 : vector<1x16xf32> to vector<16xf32>
        %parallel_loop3A_227 = arith.constant 11.3137083 : f32
        %parallel_loop3A_228 = vector.broadcast %parallel_loop3A_227 : f32 to vector<16xf32>
        %parallel_loop3A_229 = arith.mulf %parallel_loop3A_226, %parallel_loop3A_228 : vector<16xf32>
        %parallel_loop3A_230 = arith.index_cast %parallel_loop3A_210 : i32 to index
        %parallel_loop3A_231 = arith.constant 16 : index
        %parallel_loop3A_232 = tpu.vector_load %arg6[%parallel_loop3A_230, %parallel_loop3A_231] {strides = array<i32>} : memref<128x128xf32, #tpu.memory_space<vmem>>, vector<1x16xf32>,
        %parallel_loop3A_233 = vector.shape_cast %parallel_loop3A_232 : vector<1x16xf32> to vector<16xf32>
        %parallel_loop3A_234 = vector.shape_cast %parallel_loop3A_229 : vector<16xf32> to vector<1x16xf32>
        tpu.vector_store %arg6[%parallel_loop3A_230, %parallel_loop3A_231], %parallel_loop3A_234 {strides = array<i32>} : memref<128x128xf32, #tpu.memory_space<vmem>>, vector<1x16xf32>,
        %parallel_loop3A_235 = arith.index_cast %parallel_loop3A_210 : i32 to index
        %parallel_loop3A_236 = arith.constant 32 : index
        %parallel_loop3A_237 = tpu.vector_load %arg6[%parallel_loop3A_235, %parallel_loop3A_236] {strides = array<i32>} : memref<128x128xf32, #tpu.memory_space<vmem>>, vector<1x16xf32>,
        %parallel_loop3A_238 = vector.shape_cast %parallel_loop3A_237 : vector<1x16xf32> to vector<16xf32>
        %parallel_loop3A_239 = arith.constant 11.3137083 : f32
        %parallel_loop3A_240 = vector.broadcast %parallel_loop3A_239 : f32 to vector<16xf32>
        %parallel_loop3A_241 = arith.mulf %parallel_loop3A_238, %parallel_loop3A_240 : vector<16xf32>
        %parallel_loop3A_242 = arith.index_cast %parallel_loop3A_210 : i32 to index
        %parallel_loop3A_243 = arith.constant 32 : index
        %parallel_loop3A_244 = tpu.vector_load %arg6[%parallel_loop3A_242, %parallel_loop3A_243] {strides = array<i32>} : memref<128x128xf32, #tpu.memory_space<vmem>>, vector<1x16xf32>,
        %parallel_loop3A_245 = vector.shape_cast %parallel_loop3A_244 : vector<1x16xf32> to vector<16xf32>
        %parallel_loop3A_246 = vector.shape_cast %parallel_loop3A_241 : vector<16xf32> to vector<1x16xf32>
        tpu.vector_store %arg6[%parallel_loop3A_242, %parallel_loop3A_243], %parallel_loop3A_246 {strides = array<i32>} : memref<128x128xf32, #tpu.memory_space<vmem>>, vector<1x16xf32>,
        %parallel_loop3A_247 = arith.index_cast %parallel_loop3A_210 : i32 to index
        %parallel_loop3A_248 = arith.constant 48 : index
        %parallel_loop3A_249 = tpu.vector_load %arg6[%parallel_loop3A_247, %parallel_loop3A_248] {strides = array<i32>} : memref<128x128xf32, #tpu.memory_space<vmem>>, vector<1x16xf32>,
        %parallel_loop3A_250 = vector.shape_cast %parallel_loop3A_249 : vector<1x16xf32> to vector<16xf32>
        %parallel_loop3A_251 = arith.constant 11.3137083 : f32
        %parallel_loop3A_252 = vector.broadcast %parallel_loop3A_251 : f32 to vector<16xf32>
        %parallel_loop3A_253 = arith.mulf %parallel_loop3A_250, %parallel_loop3A_252 : vector<16xf32>
        %parallel_loop3A_254 = arith.index_cast %parallel_loop3A_210 : i32 to index
        %parallel_loop3A_255 = arith.constant 48 : index
        %parallel_loop3A_256 = tpu.vector_load %arg6[%parallel_loop3A_254, %parallel_loop3A_255] {strides = array<i32>} : memref<128x128xf32, #tpu.memory_space<vmem>>, vector<1x16xf32>,
        %parallel_loop3A_257 = vector.shape_cast %parallel_loop3A_256 : vector<1x16xf32> to vector<16xf32>
        %parallel_loop3A_258 = vector.shape_cast %parallel_loop3A_253 : vector<16xf32> to vector<1x16xf32>
        tpu.vector_store %arg6[%parallel_loop3A_254, %parallel_loop3A_255], %parallel_loop3A_258 {strides = array<i32>} : memref<128x128xf32, #tpu.memory_space<vmem>>, vector<1x16xf32>,
        %parallel_loop3A_259 = arith.index_cast %parallel_loop3A_210 : i32 to index
        %parallel_loop3A_260 = arith.constant 64 : index
        %parallel_loop3A_261 = tpu.vector_load %arg6[%parallel_loop3A_259, %parallel_loop3A_260] {strides = array<i32>} : memref<128x128xf32, #tpu.memory_space<vmem>>, vector<1x16xf32>,
        %parallel_loop3A_262 = vector.shape_cast %parallel_loop3A_261 : vector<1x16xf32> to vector<16xf32>
        %parallel_loop3A_263 = arith.constant 11.3137083 : f32
        %parallel_loop3A_264 = vector.broadcast %parallel_loop3A_263 : f32 to vector<16xf32>
        %parallel_loop3A_265 = arith.mulf %parallel_loop3A_262, %parallel_loop3A_264 : vector<16xf32>
        %parallel_loop3A_266 = arith.index_cast %parallel_loop3A_210 : i32 to index
        %parallel_loop3A_267 = arith.constant 64 : index
        %parallel_loop3A_268 = tpu.vector_load %arg6[%parallel_loop3A_266, %parallel_loop3A_267] {strides = array<i32>} : memref<128x128xf32, #tpu.memory_space<vmem>>, vector<1x16xf32>,
        %parallel_loop3A_269 = vector.shape_cast %parallel_loop3A_268 : vector<1x16xf32> to vector<16xf32>
        %parallel_loop3A_270 = vector.shape_cast %parallel_loop3A_265 : vector<16xf32> to vector<1x16xf32>
        tpu.vector_store %arg6[%parallel_loop3A_266, %parallel_loop3A_267], %parallel_loop3A_270 {strides = array<i32>} : memref<128x128xf32, #tpu.memory_space<vmem>>, vector<1x16xf32>,
        %parallel_loop3A_271 = arith.index_cast %parallel_loop3A_210 : i32 to index
        %parallel_loop3A_272 = arith.constant 80 : index
        %parallel_loop3A_273 = tpu.vector_load %arg6[%parallel_loop3A_271, %parallel_loop3A_272] {strides = array<i32>} : memref<128x128xf32, #tpu.memory_space<vmem>>, vector<1x16xf32>,
        %parallel_loop3A_274 = vector.shape_cast %parallel_loop3A_273 : vector<1x16xf32> to vector<16xf32>
        %parallel_loop3A_275 = arith.constant 11.3137083 : f32
        %parallel_loop3A_276 = vector.broadcast %parallel_loop3A_275 : f32 to vector<16xf32>
        %parallel_loop3A_277 = arith.mulf %parallel_loop3A_274, %parallel_loop3A_276 : vector<16xf32>
        %parallel_loop3A_278 = arith.index_cast %parallel_loop3A_210 : i32 to index
        %parallel_loop3A_279 = arith.constant 80 : index
        %parallel_loop3A_280 = tpu.vector_load %arg6[%parallel_loop3A_278, %parallel_loop3A_279] {strides = array<i32>} : memref<128x128xf32, #tpu.memory_space<vmem>>, vector<1x16xf32>,
        %parallel_loop3A_281 = vector.shape_cast %parallel_loop3A_280 : vector<1x16xf32> to vector<16xf32>
        %parallel_loop3A_282 = vector.shape_cast %parallel_loop3A_277 : vector<16xf32> to vector<1x16xf32>
        tpu.vector_store %arg6[%parallel_loop3A_278, %parallel_loop3A_279], %parallel_loop3A_282 {strides = array<i32>} : memref<128x128xf32, #tpu.memory_space<vmem>>, vector<1x16xf32>,
        %parallel_loop3A_283 = arith.index_cast %parallel_loop3A_210 : i32 to index
        %parallel_loop3A_284 = arith.constant 96 : index
        %parallel_loop3A_285 = tpu.vector_load %arg6[%parallel_loop3A_283, %parallel_loop3A_284] {strides = array<i32>} : memref<128x128xf32, #tpu.memory_space<vmem>>, vector<1x16xf32>,
        %parallel_loop3A_286 = vector.shape_cast %parallel_loop3A_285 : vector<1x16xf32> to vector<16xf32>
        %parallel_loop3A_287 = arith.constant 11.3137083 : f32
        %parallel_loop3A_288 = vector.broadcast %parallel_loop3A_287 : f32 to vector<16xf32>
        %parallel_loop3A_289 = arith.mulf %parallel_loop3A_286, %parallel_loop3A_288 : vector<16xf32>
        %parallel_loop3A_290 = arith.index_cast %parallel_loop3A_210 : i32 to index
        %parallel_loop3A_291 = arith.constant 96 : index
        %parallel_loop3A_292 = tpu.vector_load %arg6[%parallel_loop3A_290, %parallel_loop3A_291] {strides = array<i32>} : memref<128x128xf32, #tpu.memory_space<vmem>>, vector<1x16xf32>,
        %parallel_loop3A_293 = vector.shape_cast %parallel_loop3A_292 : vector<1x16xf32> to vector<16xf32>
        %parallel_loop3A_294 = vector.shape_cast %parallel_loop3A_289 : vector<16xf32> to vector<1x16xf32>
        tpu.vector_store %arg6[%parallel_loop3A_290, %parallel_loop3A_291], %parallel_loop3A_294 {strides = array<i32>} : memref<128x128xf32, #tpu.memory_space<vmem>>, vector<1x16xf32>,
        %parallel_loop3A_295 = arith.index_cast %parallel_loop3A_210 : i32 to index
        %parallel_loop3A_296 = arith.constant 112 : index
        %parallel_loop3A_297 = tpu.vector_load %arg6[%parallel_loop3A_295, %parallel_loop3A_296] {strides = array<i32>} : memref<128x128xf32, #tpu.memory_space<vmem>>, vector<1x16xf32>,
        %parallel_loop3A_298 = vector.shape_cast %parallel_loop3A_297 : vector<1x16xf32> to vector<16xf32>
        %parallel_loop3A_299 = arith.constant 11.3137083 : f32
        %parallel_loop3A_300 = vector.broadcast %parallel_loop3A_299 : f32 to vector<16xf32>
        %parallel_loop3A_301 = arith.mulf %parallel_loop3A_298, %parallel_loop3A_300 : vector<16xf32>
        %parallel_loop3A_302 = arith.index_cast %parallel_loop3A_210 : i32 to index
        %parallel_loop3A_303 = arith.constant 112 : index
        %parallel_loop3A_304 = tpu.vector_load %arg6[%parallel_loop3A_302, %parallel_loop3A_303] {strides = array<i32>} : memref<128x128xf32, #tpu.memory_space<vmem>>, vector<1x16xf32>,
        %parallel_loop3A_305 = vector.shape_cast %parallel_loop3A_304 : vector<1x16xf32> to vector<16xf32>
        %parallel_loop3A_306 = vector.shape_cast %parallel_loop3A_301 : vector<16xf32> to vector<1x16xf32>
        tpu.vector_store %arg6[%parallel_loop3A_302, %parallel_loop3A_303], %parallel_loop3A_306 {strides = array<i32>} : memref<128x128xf32, #tpu.memory_space<vmem>>, vector<1x16xf32>,
      } {sc.loop_unroll_factor = 4 : i64, sc.parallel_access}
      %mul3A_65 = arith.constant 4096 : i32
      %mul3A_66 = arith.muli %add3A_47, %mul3A_65 : i32
      %mul3A_67 = arith.constant 128 : i32
      %mul3A_68 = arith.muli %add3A, %mul3A_67 : i32
      %add3A_69 = arith.addi %mul3A_66, %mul3A_68 : i32
      %dma_start3A_70 = arith.constant 0 : i32
      %dma_start3A_71 = tpu.memref_slice %arg4[%add3A_69, %dma_start3A_70] : memref<204800x128xf32, #tpu.memory_space<hbm>> -> memref<128x128xf32, #tpu.memory_space<hbm>>
      %dma_start3A_72 = arith.constant 0 : i32
      %dma_start3A_73 = tpu.memref_slice %arg4[%add3A_69, %dma_start3A_72] : memref<204800x128xf32, #tpu.memory_space<hbm>> -> memref<128x128xf32, #tpu.memory_space<hbm>>
      tpu.enqueue_dma source(%arg6 : memref<128x128xf32, #tpu.memory_space<vmem>>) target(%dma_start3A_73 : memref<128x128xf32, #tpu.memory_space<hbm>>) target_semaphore(%arg16 : memref<!tpu.dma_semaphore, #tpu.memory_space<semaphore_mem>>)
      %add3A_74 = arith.constant 1 : i32
      %add3A_75 = arith.addi %mul3A_45, %add3A_74 : i32
      %ge3A_76 = arith.constant 2 : i32
      %ge3A_77 = arith.cmpi sge, %add3A_75, %ge3A_76 : i32
      %convert_element_type3A_78 = arith.extui %ge3A_77 : i1 to i32
      %cond3A_79 = arith.constant 0 : i32
      %cond3A_80 = arith.cmpi ne, %convert_element_type3A_78, %cond3A_79 : i32
      scf.if %cond3A_80 {
        %sub3A_210 = arith.constant 2 : i32
        %sub3A_211 = arith.subi %add3A_75, %sub3A_210 : i32
        %mul3A_212 = arith.constant 4096 : i32
        %mul3A_213 = arith.muli %sub3A_211, %mul3A_212 : i32
        %mul3A_214 = arith.constant 128 : i32
        %mul3A_215 = arith.muli %add3A, %mul3A_214 : i32
        %add3A_216 = arith.addi %mul3A_213, %mul3A_215 : i32
        %dma_wait3A_217 = arith.constant 0 : i32
        %dma_wait3A_218 = tpu.memref_slice %arg4[%add3A_216, %dma_wait3A_217] : memref<204800x128xf32, #tpu.memory_space<hbm>> -> memref<128x128xf32, #tpu.memory_space<hbm>>
        %dma_wait3A_219 = arith.constant 0 : i32
        %dma_wait3A_220 = tpu.memref_slice %arg4[%add3A_216, %dma_wait3A_219] : memref<204800x128xf32, #tpu.memory_space<hbm>> -> memref<128x128xf32, #tpu.memory_space<hbm>>
        tpu.wait_dma2 semaphore(%arg20 : memref<!tpu.dma_semaphore, #tpu.memory_space<semaphore_mem>>) src(%arg10 : memref<128x128xf32, #tpu.memory_space<vmem>>) dst(%dma_wait3A_220 : memref<128x128xf32, #tpu.memory_space<hbm>>)
      } else {
      }
      %add3A_81 = arith.constant 5 : i32
      %add3A_82 = arith.addi %add3A_75, %add3A_81 : i32
      %sub3A_83 = arith.constant 2 : i32
      %sub3A_84 = arith.subi %add3A_82, %sub3A_83 : i32
      %lt3A_85 = arith.constant 50 : i32
      %lt3A_86 = arith.cmpi slt, %sub3A_84, %lt3A_85 : i32
      %convert_element_type3A_87 = arith.extui %lt3A_86 : i1 to i32
      %cond3A_88 = arith.constant 0 : i32
      %cond3A_89 = arith.cmpi ne, %convert_element_type3A_87, %cond3A_88 : i32
      scf.if %cond3A_89 {
        %add3A_210 = arith.constant 5 : i32
        %add3A_211 = arith.addi %add3A_75, %add3A_210 : i32
        %sub3A_212 = arith.constant 2 : i32
        %sub3A_213 = arith.subi %add3A_211, %sub3A_212 : i32
        %dma_start3A_214 = arith.constant 0 : i32
        %dma_start3A_215 = tpu.memref_slice %arg5[%sub3A_213, %dma_start3A_214] : memref<50x128xi32, #tpu.memory_space<vmem>> -> memref<1x128xi32, #tpu.memory_space<vmem>>
        %dma_start3A_216 = tpu.memref_squeeze %dma_start3A_215 : memref<1x128xi32, #tpu.memory_space<vmem>> -> memref<128xi32, #tpu.memory_space<vmem>>
        %dma_start3A_217 = arith.constant 0 : i32
        %dma_start3A_218 = arith.constant 0 : i32
        %dma_start3A_219 = tpu.memref_slice %arg2[%dma_start3A_217, %dma_start3A_218] : memref<100000x128xf32, #tpu.memory_space<hbm>> -> memref<100000x128xf32, #tpu.memory_space<hbm>>
        tpu.enqueue_indirect_dma source(%dma_start3A_219 : memref<100000x128xf32, #tpu.memory_space<hbm>>) target(%arg10 : memref<128x128xf32, #tpu.memory_space<vmem>>) offsets(%dma_start3A_216 : memref<128xi32, #tpu.memory_space<vmem>>) semaphore(%arg15 : memref<!tpu.dma_semaphore, #tpu.memory_space<semaphore_mem>>)
      } else {
      }
      %dma_wait3A_90 = arith.constant 0 : i32
      %dma_wait3A_91 = tpu.memref_slice %arg5[%add3A_75, %dma_wait3A_90] : memref<50x128xi32, #tpu.memory_space<vmem>> -> memref<1x128xi32, #tpu.memory_space<vmem>>
      %dma_wait3A_92 = tpu.memref_squeeze %dma_wait3A_91 : memref<1x128xi32, #tpu.memory_space<vmem>> -> memref<128xi32, #tpu.memory_space<vmem>>
      %dma_wait3A_93 = arith.constant 0 : i32
      %dma_wait3A_94 = arith.constant 0 : i32
      %dma_wait3A_95 = tpu.memref_slice %arg2[%dma_wait3A_93, %dma_wait3A_94] : memref<100000x128xf32, #tpu.memory_space<hbm>> -> memref<100000x128xf32, #tpu.memory_space<hbm>>
      tpu.wait_indirect_dma semaphore(%arg12 : memref<!tpu.dma_semaphore, #tpu.memory_space<semaphore_mem>>) src(%dma_wait3A_95 : memref<100000x128xf32, #tpu.memory_space<hbm>>) dst(%arg7 : memref<128x128xf32, #tpu.memory_space<vmem>>)
      %parallel_loop3A_96 = arith.constant 0 : i32
      %parallel_loop3A_97 = arith.constant 128 : i32
      %parallel_loop3A_98 = arith.constant 1 : i32
      scf.for %parallel_loop3A_210 = %parallel_loop3A_96 to %parallel_loop3A_97 step %parallel_loop3A_98  : i32 {
        %parallel_loop3A_211 = arith.index_cast %parallel_loop3A_210 : i32 to index
        %parallel_loop3A_212 = arith.constant 0 : index
        %parallel_loop3A_213 = tpu.vector_load %arg7[%parallel_loop3A_211, %parallel_loop3A_212] {strides = array<i32>} : memref<128x128xf32, #tpu.memory_space<vmem>>, vector<1x16xf32>,
        %parallel_loop3A_214 = vector.shape_cast %parallel_loop3A_213 : vector<1x16xf32> to vector<16xf32>
        %parallel_loop3A_215 = arith.constant 11.3137083 : f32
        %parallel_loop3A_216 = vector.broadcast %parallel_loop3A_215 : f32 to vector<16xf32>
        %parallel_loop3A_217 = arith.mulf %parallel_loop3A_214, %parallel_loop3A_216 : vector<16xf32>
        %parallel_loop3A_218 = arith.index_cast %parallel_loop3A_210 : i32 to index
        %parallel_loop3A_219 = arith.constant 0 : index
        %parallel_loop3A_220 = tpu.vector_load %arg7[%parallel_loop3A_218, %parallel_loop3A_219] {strides = array<i32>} : memref<128x128xf32, #tpu.memory_space<vmem>>, vector<1x16xf32>,
        %parallel_loop3A_221 = vector.shape_cast %parallel_loop3A_220 : vector<1x16xf32> to vector<16xf32>
        %parallel_loop3A_222 = vector.shape_cast %parallel_loop3A_217 : vector<16xf32> to vector<1x16xf32>
        tpu.vector_store %arg7[%parallel_loop3A_218, %parallel_loop3A_219], %parallel_loop3A_222 {strides = array<i32>} : memref<128x128xf32, #tpu.memory_space<vmem>>, vector<1x16xf32>,
        %parallel_loop3A_223 = arith.index_cast %parallel_loop3A_210 : i32 to index
        %parallel_loop3A_224 = arith.constant 16 : index
        %parallel_loop3A_225 = tpu.vector_load %arg7[%parallel_loop3A_223, %parallel_loop3A_224] {strides = array<i32>} : memref<128x128xf32, #tpu.memory_space<vmem>>, vector<1x16xf32>,
        %parallel_loop3A_226 = vector.shape_cast %parallel_loop3A_225 : vector<1x16xf32> to vector<16xf32>
        %parallel_loop3A_227 = arith.constant 11.3137083 : f32
        %parallel_loop3A_228 = vector.broadcast %parallel_loop3A_227 : f32 to vector<16xf32>
        %parallel_loop3A_229 = arith.mulf %parallel_loop3A_226, %parallel_loop3A_228 : vector<16xf32>
        %parallel_loop3A_230 = arith.index_cast %parallel_loop3A_210 : i32 to index
        %parallel_loop3A_231 = arith.constant 16 : index
        %parallel_loop3A_232 = tpu.vector_load %arg7[%parallel_loop3A_230, %parallel_loop3A_231] {strides = array<i32>} : memref<128x128xf32, #tpu.memory_space<vmem>>, vector<1x16xf32>,
        %parallel_loop3A_233 = vector.shape_cast %parallel_loop3A_232 : vector<1x16xf32> to vector<16xf32>
        %parallel_loop3A_234 = vector.shape_cast %parallel_loop3A_229 : vector<16xf32> to vector<1x16xf32>
        tpu.vector_store %arg7[%parallel_loop3A_230, %parallel_loop3A_231], %parallel_loop3A_234 {strides = array<i32>} : memref<128x128xf32, #tpu.memory_space<vmem>>, vector<1x16xf32>,
        %parallel_loop3A_235 = arith.index_cast %parallel_loop3A_210 : i32 to index
        %parallel_loop3A_236 = arith.constant 32 : index
        %parallel_loop3A_237 = tpu.vector_load %arg7[%parallel_loop3A_235, %parallel_loop3A_236] {strides = array<i32>} : memref<128x128xf32, #tpu.memory_space<vmem>>, vector<1x16xf32>,
        %parallel_loop3A_238 = vector.shape_cast %parallel_loop3A_237 : vector<1x16xf32> to vector<16xf32>
        %parallel_loop3A_239 = arith.constant 11.3137083 : f32
        %parallel_loop3A_240 = vector.broadcast %parallel_loop3A_239 : f32 to vector<16xf32>
        %parallel_loop3A_241 = arith.mulf %parallel_loop3A_238, %parallel_loop3A_240 : vector<16xf32>
        %parallel_loop3A_242 = arith.index_cast %parallel_loop3A_210 : i32 to index
        %parallel_loop3A_243 = arith.constant 32 : index
        %parallel_loop3A_244 = tpu.vector_load %arg7[%parallel_loop3A_242, %parallel_loop3A_243] {strides = array<i32>} : memref<128x128xf32, #tpu.memory_space<vmem>>, vector<1x16xf32>,
        %parallel_loop3A_245 = vector.shape_cast %parallel_loop3A_244 : vector<1x16xf32> to vector<16xf32>
        %parallel_loop3A_246 = vector.shape_cast %parallel_loop3A_241 : vector<16xf32> to vector<1x16xf32>
        tpu.vector_store %arg7[%parallel_loop3A_242, %parallel_loop3A_243], %parallel_loop3A_246 {strides = array<i32>} : memref<128x128xf32, #tpu.memory_space<vmem>>, vector<1x16xf32>,
        %parallel_loop3A_247 = arith.index_cast %parallel_loop3A_210 : i32 to index
        %parallel_loop3A_248 = arith.constant 48 : index
        %parallel_loop3A_249 = tpu.vector_load %arg7[%parallel_loop3A_247, %parallel_loop3A_248] {strides = array<i32>} : memref<128x128xf32, #tpu.memory_space<vmem>>, vector<1x16xf32>,
        %parallel_loop3A_250 = vector.shape_cast %parallel_loop3A_249 : vector<1x16xf32> to vector<16xf32>
        %parallel_loop3A_251 = arith.constant 11.3137083 : f32
        %parallel_loop3A_252 = vector.broadcast %parallel_loop3A_251 : f32 to vector<16xf32>
        %parallel_loop3A_253 = arith.mulf %parallel_loop3A_250, %parallel_loop3A_252 : vector<16xf32>
        %parallel_loop3A_254 = arith.index_cast %parallel_loop3A_210 : i32 to index
        %parallel_loop3A_255 = arith.constant 48 : index
        %parallel_loop3A_256 = tpu.vector_load %arg7[%parallel_loop3A_254, %parallel_loop3A_255] {strides = array<i32>} : memref<128x128xf32, #tpu.memory_space<vmem>>, vector<1x16xf32>,
        %parallel_loop3A_257 = vector.shape_cast %parallel_loop3A_256 : vector<1x16xf32> to vector<16xf32>
        %parallel_loop3A_258 = vector.shape_cast %parallel_loop3A_253 : vector<16xf32> to vector<1x16xf32>
        tpu.vector_store %arg7[%parallel_loop3A_254, %parallel_loop3A_255], %parallel_loop3A_258 {strides = array<i32>} : memref<128x128xf32, #tpu.memory_space<vmem>>, vector<1x16xf32>,
        %parallel_loop3A_259 = arith.index_cast %parallel_loop3A_210 : i32 to index
        %parallel_loop3A_260 = arith.constant 64 : index
        %parallel_loop3A_261 = tpu.vector_load %arg7[%parallel_loop3A_259, %parallel_loop3A_260] {strides = array<i32>} : memref<128x128xf32, #tpu.memory_space<vmem>>, vector<1x16xf32>,
        %parallel_loop3A_262 = vector.shape_cast %parallel_loop3A_261 : vector<1x16xf32> to vector<16xf32>
        %parallel_loop3A_263 = arith.constant 11.3137083 : f32
        %parallel_loop3A_264 = vector.broadcast %parallel_loop3A_263 : f32 to vector<16xf32>
        %parallel_loop3A_265 = arith.mulf %parallel_loop3A_262, %parallel_loop3A_264 : vector<16xf32>
        %parallel_loop3A_266 = arith.index_cast %parallel_loop3A_210 : i32 to index
        %parallel_loop3A_267 = arith.constant 64 : index
        %parallel_loop3A_268 = tpu.vector_load %arg7[%parallel_loop3A_266, %parallel_loop3A_267] {strides = array<i32>} : memref<128x128xf32, #tpu.memory_space<vmem>>, vector<1x16xf32>,
        %parallel_loop3A_269 = vector.shape_cast %parallel_loop3A_268 : vector<1x16xf32> to vector<16xf32>
        %parallel_loop3A_270 = vector.shape_cast %parallel_loop3A_265 : vector<16xf32> to vector<1x16xf32>
        tpu.vector_store %arg7[%parallel_loop3A_266, %parallel_loop3A_267], %parallel_loop3A_270 {strides = array<i32>} : memref<128x128xf32, #tpu.memory_space<vmem>>, vector<1x16xf32>,
        %parallel_loop3A_271 = arith.index_cast %parallel_loop3A_210 : i32 to index
        %parallel_loop3A_272 = arith.constant 80 : index
        %parallel_loop3A_273 = tpu.vector_load %arg7[%parallel_loop3A_271, %parallel_loop3A_272] {strides = array<i32>} : memref<128x128xf32, #tpu.memory_space<vmem>>, vector<1x16xf32>,
        %parallel_loop3A_274 = vector.shape_cast %parallel_loop3A_273 : vector<1x16xf32> to vector<16xf32>
        %parallel_loop3A_275 = arith.constant 11.3137083 : f32
        %parallel_loop3A_276 = vector.broadcast %parallel_loop3A_275 : f32 to vector<16xf32>
        %parallel_loop3A_277 = arith.mulf %parallel_loop3A_274, %parallel_loop3A_276 : vector<16xf32>
        %parallel_loop3A_278 = arith.index_cast %parallel_loop3A_210 : i32 to index
        %parallel_loop3A_279 = arith.constant 80 : index
        %parallel_loop3A_280 = tpu.vector_load %arg7[%parallel_loop3A_278, %parallel_loop3A_279] {strides = array<i32>} : memref<128x128xf32, #tpu.memory_space<vmem>>, vector<1x16xf32>,
        %parallel_loop3A_281 = vector.shape_cast %parallel_loop3A_280 : vector<1x16xf32> to vector<16xf32>
        %parallel_loop3A_282 = vector.shape_cast %parallel_loop3A_277 : vector<16xf32> to vector<1x16xf32>
        tpu.vector_store %arg7[%parallel_loop3A_278, %parallel_loop3A_279], %parallel_loop3A_282 {strides = array<i32>} : memref<128x128xf32, #tpu.memory_space<vmem>>, vector<1x16xf32>,
        %parallel_loop3A_283 = arith.index_cast %parallel_loop3A_210 : i32 to index
        %parallel_loop3A_284 = arith.constant 96 : index
        %parallel_loop3A_285 = tpu.vector_load %arg7[%parallel_loop3A_283, %parallel_loop3A_284] {strides = array<i32>} : memref<128x128xf32, #tpu.memory_space<vmem>>, vector<1x16xf32>,
        %parallel_loop3A_286 = vector.shape_cast %parallel_loop3A_285 : vector<1x16xf32> to vector<16xf32>
        %parallel_loop3A_287 = arith.constant 11.3137083 : f32
        %parallel_loop3A_288 = vector.broadcast %parallel_loop3A_287 : f32 to vector<16xf32>
        %parallel_loop3A_289 = arith.mulf %parallel_loop3A_286, %parallel_loop3A_288 : vector<16xf32>
        %parallel_loop3A_290 = arith.index_cast %parallel_loop3A_210 : i32 to index
        %parallel_loop3A_291 = arith.constant 96 : index
        %parallel_loop3A_292 = tpu.vector_load %arg7[%parallel_loop3A_290, %parallel_loop3A_291] {strides = array<i32>} : memref<128x128xf32, #tpu.memory_space<vmem>>, vector<1x16xf32>,
        %parallel_loop3A_293 = vector.shape_cast %parallel_loop3A_292 : vector<1x16xf32> to vector<16xf32>
        %parallel_loop3A_294 = vector.shape_cast %parallel_loop3A_289 : vector<16xf32> to vector<1x16xf32>
        tpu.vector_store %arg7[%parallel_loop3A_290, %parallel_loop3A_291], %parallel_loop3A_294 {strides = array<i32>} : memref<128x128xf32, #tpu.memory_space<vmem>>, vector<1x16xf32>,
        %parallel_loop3A_295 = arith.index_cast %parallel_loop3A_210 : i32 to index
        %parallel_loop3A_296 = arith.constant 112 : index
        %parallel_loop3A_297 = tpu.vector_load %arg7[%parallel_loop3A_295, %parallel_loop3A_296] {strides = array<i32>} : memref<128x128xf32, #tpu.memory_space<vmem>>, vector<1x16xf32>,
        %parallel_loop3A_298 = vector.shape_cast %parallel_loop3A_297 : vector<1x16xf32> to vector<16xf32>
        %parallel_loop3A_299 = arith.constant 11.3137083 : f32
        %parallel_loop3A_300 = vector.broadcast %parallel_loop3A_299 : f32 to vector<16xf32>
        %parallel_loop3A_301 = arith.mulf %parallel_loop3A_298, %parallel_loop3A_300 : vector<16xf32>
        %parallel_loop3A_302 = arith.index_cast %parallel_loop3A_210 : i32 to index
        %parallel_loop3A_303 = arith.constant 112 : index
        %parallel_loop3A_304 = tpu.vector_load %arg7[%parallel_loop3A_302, %parallel_loop3A_303] {strides = array<i32>} : memref<128x128xf32, #tpu.memory_space<vmem>>, vector<1x16xf32>,
        %parallel_loop3A_305 = vector.shape_cast %parallel_loop3A_304 : vector<1x16xf32> to vector<16xf32>
        %parallel_loop3A_306 = vector.shape_cast %parallel_loop3A_301 : vector<16xf32> to vector<1x16xf32>
        tpu.vector_store %arg7[%parallel_loop3A_302, %parallel_loop3A_303], %parallel_loop3A_306 {strides = array<i32>} : memref<128x128xf32, #tpu.memory_space<vmem>>, vector<1x16xf32>,
      } {sc.loop_unroll_factor = 4 : i64, sc.parallel_access}
      %mul3A_99 = arith.constant 4096 : i32
      %mul3A_100 = arith.muli %add3A_75, %mul3A_99 : i32
      %mul3A_101 = arith.constant 128 : i32
      %mul3A_102 = arith.muli %add3A, %mul3A_101 : i32
      %add3A_103 = arith.addi %mul3A_100, %mul3A_102 : i32
      %dma_start3A_104 = arith.constant 0 : i32
      %dma_start3A_105 = tpu.memref_slice %arg4[%add3A_103, %dma_start3A_104] : memref<204800x128xf32, #tpu.memory_space<hbm>> -> memref<128x128xf32, #tpu.memory_space<hbm>>
      %dma_start3A_106 = arith.constant 0 : i32
      %dma_start3A_107 = tpu.memref_slice %arg4[%add3A_103, %dma_start3A_106] : memref<204800x128xf32, #tpu.memory_space<hbm>> -> memref<128x128xf32, #tpu.memory_space<hbm>>
      tpu.enqueue_dma source(%arg7 : memref<128x128xf32, #tpu.memory_space<vmem>>) target(%dma_start3A_107 : memref<128x128xf32, #tpu.memory_space<hbm>>) target_semaphore(%arg17 : memref<!tpu.dma_semaphore, #tpu.memory_space<semaphore_mem>>)
      %add3A_108 = arith.constant 2 : i32
      %add3A_109 = arith.addi %mul3A_45, %add3A_108 : i32
      %ge3A_110 = arith.constant 2 : i32
      %ge3A_111 = arith.cmpi sge, %add3A_109, %ge3A_110 : i32
      %convert_element_type3A_112 = arith.extui %ge3A_111 : i1 to i32
      %cond3A_113 = arith.constant 0 : i32
      %cond3A_114 = arith.cmpi ne, %convert_element_type3A_112, %cond3A_113 : i32
      scf.if %cond3A_114 {
        %sub3A_210 = arith.constant 2 : i32
        %sub3A_211 = arith.subi %add3A_109, %sub3A_210 : i32
        %mul3A_212 = arith.constant 4096 : i32
        %mul3A_213 = arith.muli %sub3A_211, %mul3A_212 : i32
        %mul3A_214 = arith.constant 128 : i32
        %mul3A_215 = arith.muli %add3A, %mul3A_214 : i32
        %add3A_216 = arith.addi %mul3A_213, %mul3A_215 : i32
        %dma_wait3A_217 = arith.constant 0 : i32
        %dma_wait3A_218 = tpu.memref_slice %arg4[%add3A_216, %dma_wait3A_217] : memref<204800x128xf32, #tpu.memory_space<hbm>> -> memref<128x128xf32, #tpu.memory_space<hbm>>
        %dma_wait3A_219 = arith.constant 0 : i32
        %dma_wait3A_220 = tpu.memref_slice %arg4[%add3A_216, %dma_wait3A_219] : memref<204800x128xf32, #tpu.memory_space<hbm>> -> memref<128x128xf32, #tpu.memory_space<hbm>>
        tpu.wait_dma2 semaphore(%arg16 : memref<!tpu.dma_semaphore, #tpu.memory_space<semaphore_mem>>) src(%arg6 : memref<128x128xf32, #tpu.memory_space<vmem>>) dst(%dma_wait3A_220 : memref<128x128xf32, #tpu.memory_space<hbm>>)
      } else {
      }
      %add3A_115 = arith.constant 5 : i32
      %add3A_116 = arith.addi %add3A_109, %add3A_115 : i32
      %sub3A_117 = arith.constant 2 : i32
      %sub3A_118 = arith.subi %add3A_116, %sub3A_117 : i32
      %lt3A_119 = arith.constant 50 : i32
      %lt3A_120 = arith.cmpi slt, %sub3A_118, %lt3A_119 : i32
      %convert_element_type3A_121 = arith.extui %lt3A_120 : i1 to i32
      %cond3A_122 = arith.constant 0 : i32
      %cond3A_123 = arith.cmpi ne, %convert_element_type3A_121, %cond3A_122 : i32
      scf.if %cond3A_123 {
        %add3A_210 = arith.constant 5 : i32
        %add3A_211 = arith.addi %add3A_109, %add3A_210 : i32
        %sub3A_212 = arith.constant 2 : i32
        %sub3A_213 = arith.subi %add3A_211, %sub3A_212 : i32
        %dma_start3A_214 = arith.constant 0 : i32
        %dma_start3A_215 = tpu.memref_slice %arg5[%sub3A_213, %dma_start3A_214] : memref<50x128xi32, #tpu.memory_space<vmem>> -> memref<1x128xi32, #tpu.memory_space<vmem>>
        %dma_start3A_216 = tpu.memref_squeeze %dma_start3A_215 : memref<1x128xi32, #tpu.memory_space<vmem>> -> memref<128xi32, #tpu.memory_space<vmem>>
        %dma_start3A_217 = arith.constant 0 : i32
        %dma_start3A_218 = arith.constant 0 : i32
        %dma_start3A_219 = tpu.memref_slice %arg2[%dma_start3A_217, %dma_start3A_218] : memref<100000x128xf32, #tpu.memory_space<hbm>> -> memref<100000x128xf32, #tpu.memory_space<hbm>>
        tpu.enqueue_indirect_dma source(%dma_start3A_219 : memref<100000x128xf32, #tpu.memory_space<hbm>>) target(%arg6 : memref<128x128xf32, #tpu.memory_space<vmem>>) offsets(%dma_start3A_216 : memref<128xi32, #tpu.memory_space<vmem>>) semaphore(%arg11 : memref<!tpu.dma_semaphore, #tpu.memory_space<semaphore_mem>>)
      } else {
      }
      %dma_wait3A_124 = arith.constant 0 : i32
      %dma_wait3A_125 = tpu.memref_slice %arg5[%add3A_109, %dma_wait3A_124] : memref<50x128xi32, #tpu.memory_space<vmem>> -> memref<1x128xi32, #tpu.memory_space<vmem>>
      %dma_wait3A_126 = tpu.memref_squeeze %dma_wait3A_125 : memref<1x128xi32, #tpu.memory_space<vmem>> -> memref<128xi32, #tpu.memory_space<vmem>>
      %dma_wait3A_127 = arith.constant 0 : i32
      %dma_wait3A_128 = arith.constant 0 : i32
      %dma_wait3A_129 = tpu.memref_slice %arg2[%dma_wait3A_127, %dma_wait3A_128] : memref<100000x128xf32, #tpu.memory_space<hbm>> -> memref<100000x128xf32, #tpu.memory_space<hbm>>
      tpu.wait_indirect_dma semaphore(%arg13 : memref<!tpu.dma_semaphore, #tpu.memory_space<semaphore_mem>>) src(%dma_wait3A_129 : memref<100000x128xf32, #tpu.memory_space<hbm>>) dst(%arg8 : memref<128x128xf32, #tpu.memory_space<vmem>>)
      %parallel_loop3A_130 = arith.constant 0 : i32
      %parallel_loop3A_131 = arith.constant 128 : i32
      %parallel_loop3A_132 = arith.constant 1 : i32
      scf.for %parallel_loop3A_210 = %parallel_loop3A_130 to %parallel_loop3A_131 step %parallel_loop3A_132  : i32 {
        %parallel_loop3A_211 = arith.index_cast %parallel_loop3A_210 : i32 to index
        %parallel_loop3A_212 = arith.constant 0 : index
        %parallel_loop3A_213 = tpu.vector_load %arg8[%parallel_loop3A_211, %parallel_loop3A_212] {strides = array<i32>} : memref<128x128xf32, #tpu.memory_space<vmem>>, vector<1x16xf32>,
        %parallel_loop3A_214 = vector.shape_cast %parallel_loop3A_213 : vector<1x16xf32> to vector<16xf32>
        %parallel_loop3A_215 = arith.constant 11.3137083 : f32
        %parallel_loop3A_216 = vector.broadcast %parallel_loop3A_215 : f32 to vector<16xf32>
        %parallel_loop3A_217 = arith.mulf %parallel_loop3A_214, %parallel_loop3A_216 : vector<16xf32>
        %parallel_loop3A_218 = arith.index_cast %parallel_loop3A_210 : i32 to index
        %parallel_loop3A_219 = arith.constant 0 : index
        %parallel_loop3A_220 = tpu.vector_load %arg8[%parallel_loop3A_218, %parallel_loop3A_219] {strides = array<i32>} : memref<128x128xf32, #tpu.memory_space<vmem>>, vector<1x16xf32>,
        %parallel_loop3A_221 = vector.shape_cast %parallel_loop3A_220 : vector<1x16xf32> to vector<16xf32>
        %parallel_loop3A_222 = vector.shape_cast %parallel_loop3A_217 : vector<16xf32> to vector<1x16xf32>
        tpu.vector_store %arg8[%parallel_loop3A_218, %parallel_loop3A_219], %parallel_loop3A_222 {strides = array<i32>} : memref<128x128xf32, #tpu.memory_space<vmem>>, vector<1x16xf32>,
        %parallel_loop3A_223 = arith.index_cast %parallel_loop3A_210 : i32 to index
        %parallel_loop3A_224 = arith.constant 16 : index
        %parallel_loop3A_225 = tpu.vector_load %arg8[%parallel_loop3A_223, %parallel_loop3A_224] {strides = array<i32>} : memref<128x128xf32, #tpu.memory_space<vmem>>, vector<1x16xf32>,
        %parallel_loop3A_226 = vector.shape_cast %parallel_loop3A_225 : vector<1x16xf32> to vector<16xf32>
        %parallel_loop3A_227 = arith.constant 11.3137083 : f32
        %parallel_loop3A_228 = vector.broadcast %parallel_loop3A_227 : f32 to vector<16xf32>
        %parallel_loop3A_229 = arith.mulf %parallel_loop3A_226, %parallel_loop3A_228 : vector<16xf32>
        %parallel_loop3A_230 = arith.index_cast %parallel_loop3A_210 : i32 to index
        %parallel_loop3A_231 = arith.constant 16 : index
        %parallel_loop3A_232 = tpu.vector_load %arg8[%parallel_loop3A_230, %parallel_loop3A_231] {strides = array<i32>} : memref<128x128xf32, #tpu.memory_space<vmem>>, vector<1x16xf32>,
        %parallel_loop3A_233 = vector.shape_cast %parallel_loop3A_232 : vector<1x16xf32> to vector<16xf32>
        %parallel_loop3A_234 = vector.shape_cast %parallel_loop3A_229 : vector<16xf32> to vector<1x16xf32>
        tpu.vector_store %arg8[%parallel_loop3A_230, %parallel_loop3A_231], %parallel_loop3A_234 {strides = array<i32>} : memref<128x128xf32, #tpu.memory_space<vmem>>, vector<1x16xf32>,
        %parallel_loop3A_235 = arith.index_cast %parallel_loop3A_210 : i32 to index
        %parallel_loop3A_236 = arith.constant 32 : index
        %parallel_loop3A_237 = tpu.vector_load %arg8[%parallel_loop3A_235, %parallel_loop3A_236] {strides = array<i32>} : memref<128x128xf32, #tpu.memory_space<vmem>>, vector<1x16xf32>,
        %parallel_loop3A_238 = vector.shape_cast %parallel_loop3A_237 : vector<1x16xf32> to vector<16xf32>
        %parallel_loop3A_239 = arith.constant 11.3137083 : f32
        %parallel_loop3A_240 = vector.broadcast %parallel_loop3A_239 : f32 to vector<16xf32>
        %parallel_loop3A_241 = arith.mulf %parallel_loop3A_238, %parallel_loop3A_240 : vector<16xf32>
        %parallel_loop3A_242 = arith.index_cast %parallel_loop3A_210 : i32 to index
        %parallel_loop3A_243 = arith.constant 32 : index
        %parallel_loop3A_244 = tpu.vector_load %arg8[%parallel_loop3A_242, %parallel_loop3A_243] {strides = array<i32>} : memref<128x128xf32, #tpu.memory_space<vmem>>, vector<1x16xf32>,
        %parallel_loop3A_245 = vector.shape_cast %parallel_loop3A_244 : vector<1x16xf32> to vector<16xf32>
        %parallel_loop3A_246 = vector.shape_cast %parallel_loop3A_241 : vector<16xf32> to vector<1x16xf32>
        tpu.vector_store %arg8[%parallel_loop3A_242, %parallel_loop3A_243], %parallel_loop3A_246 {strides = array<i32>} : memref<128x128xf32, #tpu.memory_space<vmem>>, vector<1x16xf32>,
        %parallel_loop3A_247 = arith.index_cast %parallel_loop3A_210 : i32 to index
        %parallel_loop3A_248 = arith.constant 48 : index
        %parallel_loop3A_249 = tpu.vector_load %arg8[%parallel_loop3A_247, %parallel_loop3A_248] {strides = array<i32>} : memref<128x128xf32, #tpu.memory_space<vmem>>, vector<1x16xf32>,
        %parallel_loop3A_250 = vector.shape_cast %parallel_loop3A_249 : vector<1x16xf32> to vector<16xf32>
        %parallel_loop3A_251 = arith.constant 11.3137083 : f32
        %parallel_loop3A_252 = vector.broadcast %parallel_loop3A_251 : f32 to vector<16xf32>
        %parallel_loop3A_253 = arith.mulf %parallel_loop3A_250, %parallel_loop3A_252 : vector<16xf32>
        %parallel_loop3A_254 = arith.index_cast %parallel_loop3A_210 : i32 to index
        %parallel_loop3A_255 = arith.constant 48 : index
        %parallel_loop3A_256 = tpu.vector_load %arg8[%parallel_loop3A_254, %parallel_loop3A_255] {strides = array<i32>} : memref<128x128xf32, #tpu.memory_space<vmem>>, vector<1x16xf32>,
        %parallel_loop3A_257 = vector.shape_cast %parallel_loop3A_256 : vector<1x16xf32> to vector<16xf32>
        %parallel_loop3A_258 = vector.shape_cast %parallel_loop3A_253 : vector<16xf32> to vector<1x16xf32>
        tpu.vector_store %arg8[%parallel_loop3A_254, %parallel_loop3A_255], %parallel_loop3A_258 {strides = array<i32>} : memref<128x128xf32, #tpu.memory_space<vmem>>, vector<1x16xf32>,
        %parallel_loop3A_259 = arith.index_cast %parallel_loop3A_210 : i32 to index
        %parallel_loop3A_260 = arith.constant 64 : index
        %parallel_loop3A_261 = tpu.vector_load %arg8[%parallel_loop3A_259, %parallel_loop3A_260] {strides = array<i32>} : memref<128x128xf32, #tpu.memory_space<vmem>>, vector<1x16xf32>,
        %parallel_loop3A_262 = vector.shape_cast %parallel_loop3A_261 : vector<1x16xf32> to vector<16xf32>
        %parallel_loop3A_263 = arith.constant 11.3137083 : f32
        %parallel_loop3A_264 = vector.broadcast %parallel_loop3A_263 : f32 to vector<16xf32>
        %parallel_loop3A_265 = arith.mulf %parallel_loop3A_262, %parallel_loop3A_264 : vector<16xf32>
        %parallel_loop3A_266 = arith.index_cast %parallel_loop3A_210 : i32 to index
        %parallel_loop3A_267 = arith.constant 64 : index
        %parallel_loop3A_268 = tpu.vector_load %arg8[%parallel_loop3A_266, %parallel_loop3A_267] {strides = array<i32>} : memref<128x128xf32, #tpu.memory_space<vmem>>, vector<1x16xf32>,
        %parallel_loop3A_269 = vector.shape_cast %parallel_loop3A_268 : vector<1x16xf32> to vector<16xf32>
        %parallel_loop3A_270 = vector.shape_cast %parallel_loop3A_265 : vector<16xf32> to vector<1x16xf32>
        tpu.vector_store %arg8[%parallel_loop3A_266, %parallel_loop3A_267], %parallel_loop3A_270 {strides = array<i32>} : memref<128x128xf32, #tpu.memory_space<vmem>>, vector<1x16xf32>,
        %parallel_loop3A_271 = arith.index_cast %parallel_loop3A_210 : i32 to index
        %parallel_loop3A_272 = arith.constant 80 : index
        %parallel_loop3A_273 = tpu.vector_load %arg8[%parallel_loop3A_271, %parallel_loop3A_272] {strides = array<i32>} : memref<128x128xf32, #tpu.memory_space<vmem>>, vector<1x16xf32>,
        %parallel_loop3A_274 = vector.shape_cast %parallel_loop3A_273 : vector<1x16xf32> to vector<16xf32>
        %parallel_loop3A_275 = arith.constant 11.3137083 : f32
        %parallel_loop3A_276 = vector.broadcast %parallel_loop3A_275 : f32 to vector<16xf32>
        %parallel_loop3A_277 = arith.mulf %parallel_loop3A_274, %parallel_loop3A_276 : vector<16xf32>
        %parallel_loop3A_278 = arith.index_cast %parallel_loop3A_210 : i32 to index
        %parallel_loop3A_279 = arith.constant 80 : index
        %parallel_loop3A_280 = tpu.vector_load %arg8[%parallel_loop3A_278, %parallel_loop3A_279] {strides = array<i32>} : memref<128x128xf32, #tpu.memory_space<vmem>>, vector<1x16xf32>,
        %parallel_loop3A_281 = vector.shape_cast %parallel_loop3A_280 : vector<1x16xf32> to vector<16xf32>
        %parallel_loop3A_282 = vector.shape_cast %parallel_loop3A_277 : vector<16xf32> to vector<1x16xf32>
        tpu.vector_store %arg8[%parallel_loop3A_278, %parallel_loop3A_279], %parallel_loop3A_282 {strides = array<i32>} : memref<128x128xf32, #tpu.memory_space<vmem>>, vector<1x16xf32>,
        %parallel_loop3A_283 = arith.index_cast %parallel_loop3A_210 : i32 to index
        %parallel_loop3A_284 = arith.constant 96 : index
        %parallel_loop3A_285 = tpu.vector_load %arg8[%parallel_loop3A_283, %parallel_loop3A_284] {strides = array<i32>} : memref<128x128xf32, #tpu.memory_space<vmem>>, vector<1x16xf32>,
        %parallel_loop3A_286 = vector.shape_cast %parallel_loop3A_285 : vector<1x16xf32> to vector<16xf32>
        %parallel_loop3A_287 = arith.constant 11.3137083 : f32
        %parallel_loop3A_288 = vector.broadcast %parallel_loop3A_287 : f32 to vector<16xf32>
        %parallel_loop3A_289 = arith.mulf %parallel_loop3A_286, %parallel_loop3A_288 : vector<16xf32>
        %parallel_loop3A_290 = arith.index_cast %parallel_loop3A_210 : i32 to index
        %parallel_loop3A_291 = arith.constant 96 : index
        %parallel_loop3A_292 = tpu.vector_load %arg8[%parallel_loop3A_290, %parallel_loop3A_291] {strides = array<i32>} : memref<128x128xf32, #tpu.memory_space<vmem>>, vector<1x16xf32>,
        %parallel_loop3A_293 = vector.shape_cast %parallel_loop3A_292 : vector<1x16xf32> to vector<16xf32>
        %parallel_loop3A_294 = vector.shape_cast %parallel_loop3A_289 : vector<16xf32> to vector<1x16xf32>
        tpu.vector_store %arg8[%parallel_loop3A_290, %parallel_loop3A_291], %parallel_loop3A_294 {strides = array<i32>} : memref<128x128xf32, #tpu.memory_space<vmem>>, vector<1x16xf32>,
        %parallel_loop3A_295 = arith.index_cast %parallel_loop3A_210 : i32 to index
        %parallel_loop3A_296 = arith.constant 112 : index
        %parallel_loop3A_297 = tpu.vector_load %arg8[%parallel_loop3A_295, %parallel_loop3A_296] {strides = array<i32>} : memref<128x128xf32, #tpu.memory_space<vmem>>, vector<1x16xf32>,
        %parallel_loop3A_298 = vector.shape_cast %parallel_loop3A_297 : vector<1x16xf32> to vector<16xf32>
        %parallel_loop3A_299 = arith.constant 11.3137083 : f32
        %parallel_loop3A_300 = vector.broadcast %parallel_loop3A_299 : f32 to vector<16xf32>
        %parallel_loop3A_301 = arith.mulf %parallel_loop3A_298, %parallel_loop3A_300 : vector<16xf32>
        %parallel_loop3A_302 = arith.index_cast %parallel_loop3A_210 : i32 to index
        %parallel_loop3A_303 = arith.constant 112 : index
        %parallel_loop3A_304 = tpu.vector_load %arg8[%parallel_loop3A_302, %parallel_loop3A_303] {strides = array<i32>} : memref<128x128xf32, #tpu.memory_space<vmem>>, vector<1x16xf32>,
        %parallel_loop3A_305 = vector.shape_cast %parallel_loop3A_304 : vector<1x16xf32> to vector<16xf32>
        %parallel_loop3A_306 = vector.shape_cast %parallel_loop3A_301 : vector<16xf32> to vector<1x16xf32>
        tpu.vector_store %arg8[%parallel_loop3A_302, %parallel_loop3A_303], %parallel_loop3A_306 {strides = array<i32>} : memref<128x128xf32, #tpu.memory_space<vmem>>, vector<1x16xf32>,
      } {sc.loop_unroll_factor = 4 : i64, sc.parallel_access}
      %mul3A_133 = arith.constant 4096 : i32
      %mul3A_134 = arith.muli %add3A_109, %mul3A_133 : i32
      %mul3A_135 = arith.constant 128 : i32
      %mul3A_136 = arith.muli %add3A, %mul3A_135 : i32
      %add3A_137 = arith.addi %mul3A_134, %mul3A_136 : i32
      %dma_start3A_138 = arith.constant 0 : i32
      %dma_start3A_139 = tpu.memref_slice %arg4[%add3A_137, %dma_start3A_138] : memref<204800x128xf32, #tpu.memory_space<hbm>> -> memref<128x128xf32, #tpu.memory_space<hbm>>
      %dma_start3A_140 = arith.constant 0 : i32
      %dma_start3A_141 = tpu.memref_slice %arg4[%add3A_137, %dma_start3A_140] : memref<204800x128xf32, #tpu.memory_space<hbm>> -> memref<128x128xf32, #tpu.memory_space<hbm>>
      tpu.enqueue_dma source(%arg8 : memref<128x128xf32, #tpu.memory_space<vmem>>) target(%dma_start3A_141 : memref<128x128xf32, #tpu.memory_space<hbm>>) target_semaphore(%arg18 : memref<!tpu.dma_semaphore, #tpu.memory_space<semaphore_mem>>)
      %add3A_142 = arith.constant 3 : i32
      %add3A_143 = arith.addi %mul3A_45, %add3A_142 : i32
      %ge3A_144 = arith.constant 2 : i32
      %ge3A_145 = arith.cmpi sge, %add3A_143, %ge3A_144 : i32
      %convert_element_type3A_146 = arith.extui %ge3A_145 : i1 to i32
      %cond3A_147 = arith.constant 0 : i32
      %cond3A_148 = arith.cmpi ne, %convert_element_type3A_146, %cond3A_147 : i32
      scf.if %cond3A_148 {
        %sub3A_210 = arith.constant 2 : i32
        %sub3A_211 = arith.subi %add3A_143, %sub3A_210 : i32
        %mul3A_212 = arith.constant 4096 : i32
        %mul3A_213 = arith.muli %sub3A_211, %mul3A_212 : i32
        %mul3A_214 = arith.constant 128 : i32
        %mul3A_215 = arith.muli %add3A, %mul3A_214 : i32
        %add3A_216 = arith.addi %mul3A_213, %mul3A_215 : i32
        %dma_wait3A_217 = arith.constant 0 : i32
        %dma_wait3A_218 = tpu.memref_slice %arg4[%add3A_216, %dma_wait3A_217] : memref<204800x128xf32, #tpu.memory_space<hbm>> -> memref<128x128xf32, #tpu.memory_space<hbm>>
        %dma_wait3A_219 = arith.constant 0 : i32
        %dma_wait3A_220 = tpu.memref_slice %arg4[%add3A_216, %dma_wait3A_219] : memref<204800x128xf32, #tpu.memory_space<hbm>> -> memref<128x128xf32, #tpu.memory_space<hbm>>
        tpu.wait_dma2 semaphore(%arg17 : memref<!tpu.dma_semaphore, #tpu.memory_space<semaphore_mem>>) src(%arg7 : memref<128x128xf32, #tpu.memory_space<vmem>>) dst(%dma_wait3A_220 : memref<128x128xf32, #tpu.memory_space<hbm>>)
      } else {
      }
      %add3A_149 = arith.constant 5 : i32
      %add3A_150 = arith.addi %add3A_143, %add3A_149 : i32
      %sub3A_151 = arith.constant 2 : i32
      %sub3A_152 = arith.subi %add3A_150, %sub3A_151 : i32
      %lt3A_153 = arith.constant 50 : i32
      %lt3A_154 = arith.cmpi slt, %sub3A_152, %lt3A_153 : i32
      %convert_element_type3A_155 = arith.extui %lt3A_154 : i1 to i32
      %cond3A_156 = arith.constant 0 : i32
      %cond3A_157 = arith.cmpi ne, %convert_element_type3A_155, %cond3A_156 : i32
      scf.if %cond3A_157 {
        %add3A_210 = arith.constant 5 : i32
        %add3A_211 = arith.addi %add3A_143, %add3A_210 : i32
        %sub3A_212 = arith.constant 2 : i32
        %sub3A_213 = arith.subi %add3A_211, %sub3A_212 : i32
        %dma_start3A_214 = arith.constant 0 : i32
        %dma_start3A_215 = tpu.memref_slice %arg5[%sub3A_213, %dma_start3A_214] : memref<50x128xi32, #tpu.memory_space<vmem>> -> memref<1x128xi32, #tpu.memory_space<vmem>>
        %dma_start3A_216 = tpu.memref_squeeze %dma_start3A_215 : memref<1x128xi32, #tpu.memory_space<vmem>> -> memref<128xi32, #tpu.memory_space<vmem>>
        %dma_start3A_217 = arith.constant 0 : i32
        %dma_start3A_218 = arith.constant 0 : i32
        %dma_start3A_219 = tpu.memref_slice %arg2[%dma_start3A_217, %dma_start3A_218] : memref<100000x128xf32, #tpu.memory_space<hbm>> -> memref<100000x128xf32, #tpu.memory_space<hbm>>
        tpu.enqueue_indirect_dma source(%dma_start3A_219 : memref<100000x128xf32, #tpu.memory_space<hbm>>) target(%arg7 : memref<128x128xf32, #tpu.memory_space<vmem>>) offsets(%dma_start3A_216 : memref<128xi32, #tpu.memory_space<vmem>>) semaphore(%arg12 : memref<!tpu.dma_semaphore, #tpu.memory_space<semaphore_mem>>)
      } else {
      }
      %dma_wait3A_158 = arith.constant 0 : i32
      %dma_wait3A_159 = tpu.memref_slice %arg5[%add3A_143, %dma_wait3A_158] : memref<50x128xi32, #tpu.memory_space<vmem>> -> memref<1x128xi32, #tpu.memory_space<vmem>>
      %dma_wait3A_160 = tpu.memref_squeeze %dma_wait3A_159 : memref<1x128xi32, #tpu.memory_space<vmem>> -> memref<128xi32, #tpu.memory_space<vmem>>
      %dma_wait3A_161 = arith.constant 0 : i32
      %dma_wait3A_162 = arith.constant 0 : i32
      %dma_wait3A_163 = tpu.memref_slice %arg2[%dma_wait3A_161, %dma_wait3A_162] : memref<100000x128xf32, #tpu.memory_space<hbm>> -> memref<100000x128xf32, #tpu.memory_space<hbm>>
      tpu.wait_indirect_dma semaphore(%arg14 : memref<!tpu.dma_semaphore, #tpu.memory_space<semaphore_mem>>) src(%dma_wait3A_163 : memref<100000x128xf32, #tpu.memory_space<hbm>>) dst(%arg9 : memref<128x128xf32, #tpu.memory_space<vmem>>)
      %parallel_loop3A_164 = arith.constant 0 : i32
      %parallel_loop3A_165 = arith.constant 128 : i32
      %parallel_loop3A_166 = arith.constant 1 : i32
      scf.for %parallel_loop3A_210 = %parallel_loop3A_164 to %parallel_loop3A_165 step %parallel_loop3A_166  : i32 {
        %parallel_loop3A_211 = arith.index_cast %parallel_loop3A_210 : i32 to index
        %parallel_loop3A_212 = arith.constant 0 : index
        %parallel_loop3A_213 = tpu.vector_load %arg9[%parallel_loop3A_211, %parallel_loop3A_212] {strides = array<i32>} : memref<128x128xf32, #tpu.memory_space<vmem>>, vector<1x16xf32>,
        %parallel_loop3A_214 = vector.shape_cast %parallel_loop3A_213 : vector<1x16xf32> to vector<16xf32>
        %parallel_loop3A_215 = arith.constant 11.3137083 : f32
        %parallel_loop3A_216 = vector.broadcast %parallel_loop3A_215 : f32 to vector<16xf32>
        %parallel_loop3A_217 = arith.mulf %parallel_loop3A_214, %parallel_loop3A_216 : vector<16xf32>
        %parallel_loop3A_218 = arith.index_cast %parallel_loop3A_210 : i32 to index
        %parallel_loop3A_219 = arith.constant 0 : index
        %parallel_loop3A_220 = tpu.vector_load %arg9[%parallel_loop3A_218, %parallel_loop3A_219] {strides = array<i32>} : memref<128x128xf32, #tpu.memory_space<vmem>>, vector<1x16xf32>,
        %parallel_loop3A_221 = vector.shape_cast %parallel_loop3A_220 : vector<1x16xf32> to vector<16xf32>
        %parallel_loop3A_222 = vector.shape_cast %parallel_loop3A_217 : vector<16xf32> to vector<1x16xf32>
        tpu.vector_store %arg9[%parallel_loop3A_218, %parallel_loop3A_219], %parallel_loop3A_222 {strides = array<i32>} : memref<128x128xf32, #tpu.memory_space<vmem>>, vector<1x16xf32>,
        %parallel_loop3A_223 = arith.index_cast %parallel_loop3A_210 : i32 to index
        %parallel_loop3A_224 = arith.constant 16 : index
        %parallel_loop3A_225 = tpu.vector_load %arg9[%parallel_loop3A_223, %parallel_loop3A_224] {strides = array<i32>} : memref<128x128xf32, #tpu.memory_space<vmem>>, vector<1x16xf32>,
        %parallel_loop3A_226 = vector.shape_cast %parallel_loop3A_225 : vector<1x16xf32> to vector<16xf32>
        %parallel_loop3A_227 = arith.constant 11.3137083 : f32
        %parallel_loop3A_228 = vector.broadcast %parallel_loop3A_227 : f32 to vector<16xf32>
        %parallel_loop3A_229 = arith.mulf %parallel_loop3A_226, %parallel_loop3A_228 : vector<16xf32>
        %parallel_loop3A_230 = arith.index_cast %parallel_loop3A_210 : i32 to index
        %parallel_loop3A_231 = arith.constant 16 : index
        %parallel_loop3A_232 = tpu.vector_load %arg9[%parallel_loop3A_230, %parallel_loop3A_231] {strides = array<i32>} : memref<128x128xf32, #tpu.memory_space<vmem>>, vector<1x16xf32>,
        %parallel_loop3A_233 = vector.shape_cast %parallel_loop3A_232 : vector<1x16xf32> to vector<16xf32>
        %parallel_loop3A_234 = vector.shape_cast %parallel_loop3A_229 : vector<16xf32> to vector<1x16xf32>
        tpu.vector_store %arg9[%parallel_loop3A_230, %parallel_loop3A_231], %parallel_loop3A_234 {strides = array<i32>} : memref<128x128xf32, #tpu.memory_space<vmem>>, vector<1x16xf32>,
        %parallel_loop3A_235 = arith.index_cast %parallel_loop3A_210 : i32 to index
        %parallel_loop3A_236 = arith.constant 32 : index
        %parallel_loop3A_237 = tpu.vector_load %arg9[%parallel_loop3A_235, %parallel_loop3A_236] {strides = array<i32>} : memref<128x128xf32, #tpu.memory_space<vmem>>, vector<1x16xf32>,
        %parallel_loop3A_238 = vector.shape_cast %parallel_loop3A_237 : vector<1x16xf32> to vector<16xf32>
        %parallel_loop3A_239 = arith.constant 11.3137083 : f32
        %parallel_loop3A_240 = vector.broadcast %parallel_loop3A_239 : f32 to vector<16xf32>
        %parallel_loop3A_241 = arith.mulf %parallel_loop3A_238, %parallel_loop3A_240 : vector<16xf32>
        %parallel_loop3A_242 = arith.index_cast %parallel_loop3A_210 : i32 to index
        %parallel_loop3A_243 = arith.constant 32 : index
        %parallel_loop3A_244 = tpu.vector_load %arg9[%parallel_loop3A_242, %parallel_loop3A_243] {strides = array<i32>} : memref<128x128xf32, #tpu.memory_space<vmem>>, vector<1x16xf32>,
        %parallel_loop3A_245 = vector.shape_cast %parallel_loop3A_244 : vector<1x16xf32> to vector<16xf32>
        %parallel_loop3A_246 = vector.shape_cast %parallel_loop3A_241 : vector<16xf32> to vector<1x16xf32>
        tpu.vector_store %arg9[%parallel_loop3A_242, %parallel_loop3A_243], %parallel_loop3A_246 {strides = array<i32>} : memref<128x128xf32, #tpu.memory_space<vmem>>, vector<1x16xf32>,
        %parallel_loop3A_247 = arith.index_cast %parallel_loop3A_210 : i32 to index
        %parallel_loop3A_248 = arith.constant 48 : index
        %parallel_loop3A_249 = tpu.vector_load %arg9[%parallel_loop3A_247, %parallel_loop3A_248] {strides = array<i32>} : memref<128x128xf32, #tpu.memory_space<vmem>>, vector<1x16xf32>,
        %parallel_loop3A_250 = vector.shape_cast %parallel_loop3A_249 : vector<1x16xf32> to vector<16xf32>
        %parallel_loop3A_251 = arith.constant 11.3137083 : f32
        %parallel_loop3A_252 = vector.broadcast %parallel_loop3A_251 : f32 to vector<16xf32>
        %parallel_loop3A_253 = arith.mulf %parallel_loop3A_250, %parallel_loop3A_252 : vector<16xf32>
        %parallel_loop3A_254 = arith.index_cast %parallel_loop3A_210 : i32 to index
        %parallel_loop3A_255 = arith.constant 48 : index
        %parallel_loop3A_256 = tpu.vector_load %arg9[%parallel_loop3A_254, %parallel_loop3A_255] {strides = array<i32>} : memref<128x128xf32, #tpu.memory_space<vmem>>, vector<1x16xf32>,
        %parallel_loop3A_257 = vector.shape_cast %parallel_loop3A_256 : vector<1x16xf32> to vector<16xf32>
        %parallel_loop3A_258 = vector.shape_cast %parallel_loop3A_253 : vector<16xf32> to vector<1x16xf32>
        tpu.vector_store %arg9[%parallel_loop3A_254, %parallel_loop3A_255], %parallel_loop3A_258 {strides = array<i32>} : memref<128x128xf32, #tpu.memory_space<vmem>>, vector<1x16xf32>,
        %parallel_loop3A_259 = arith.index_cast %parallel_loop3A_210 : i32 to index
        %parallel_loop3A_260 = arith.constant 64 : index
        %parallel_loop3A_261 = tpu.vector_load %arg9[%parallel_loop3A_259, %parallel_loop3A_260] {strides = array<i32>} : memref<128x128xf32, #tpu.memory_space<vmem>>, vector<1x16xf32>,
        %parallel_loop3A_262 = vector.shape_cast %parallel_loop3A_261 : vector<1x16xf32> to vector<16xf32>
        %parallel_loop3A_263 = arith.constant 11.3137083 : f32
        %parallel_loop3A_264 = vector.broadcast %parallel_loop3A_263 : f32 to vector<16xf32>
        %parallel_loop3A_265 = arith.mulf %parallel_loop3A_262, %parallel_loop3A_264 : vector<16xf32>
        %parallel_loop3A_266 = arith.index_cast %parallel_loop3A_210 : i32 to index
        %parallel_loop3A_267 = arith.constant 64 : index
        %parallel_loop3A_268 = tpu.vector_load %arg9[%parallel_loop3A_266, %parallel_loop3A_267] {strides = array<i32>} : memref<128x128xf32, #tpu.memory_space<vmem>>, vector<1x16xf32>,
        %parallel_loop3A_269 = vector.shape_cast %parallel_loop3A_268 : vector<1x16xf32> to vector<16xf32>
        %parallel_loop3A_270 = vector.shape_cast %parallel_loop3A_265 : vector<16xf32> to vector<1x16xf32>
        tpu.vector_store %arg9[%parallel_loop3A_266, %parallel_loop3A_267], %parallel_loop3A_270 {strides = array<i32>} : memref<128x128xf32, #tpu.memory_space<vmem>>, vector<1x16xf32>,
        %parallel_loop3A_271 = arith.index_cast %parallel_loop3A_210 : i32 to index
        %parallel_loop3A_272 = arith.constant 80 : index
        %parallel_loop3A_273 = tpu.vector_load %arg9[%parallel_loop3A_271, %parallel_loop3A_272] {strides = array<i32>} : memref<128x128xf32, #tpu.memory_space<vmem>>, vector<1x16xf32>,
        %parallel_loop3A_274 = vector.shape_cast %parallel_loop3A_273 : vector<1x16xf32> to vector<16xf32>
        %parallel_loop3A_275 = arith.constant 11.3137083 : f32
        %parallel_loop3A_276 = vector.broadcast %parallel_loop3A_275 : f32 to vector<16xf32>
        %parallel_loop3A_277 = arith.mulf %parallel_loop3A_274, %parallel_loop3A_276 : vector<16xf32>
        %parallel_loop3A_278 = arith.index_cast %parallel_loop3A_210 : i32 to index
        %parallel_loop3A_279 = arith.constant 80 : index
        %parallel_loop3A_280 = tpu.vector_load %arg9[%parallel_loop3A_278, %parallel_loop3A_279] {strides = array<i32>} : memref<128x128xf32, #tpu.memory_space<vmem>>, vector<1x16xf32>,
        %parallel_loop3A_281 = vector.shape_cast %parallel_loop3A_280 : vector<1x16xf32> to vector<16xf32>
        %parallel_loop3A_282 = vector.shape_cast %parallel_loop3A_277 : vector<16xf32> to vector<1x16xf32>
        tpu.vector_store %arg9[%parallel_loop3A_278, %parallel_loop3A_279], %parallel_loop3A_282 {strides = array<i32>} : memref<128x128xf32, #tpu.memory_space<vmem>>, vector<1x16xf32>,
        %parallel_loop3A_283 = arith.index_cast %parallel_loop3A_210 : i32 to index
        %parallel_loop3A_284 = arith.constant 96 : index
        %parallel_loop3A_285 = tpu.vector_load %arg9[%parallel_loop3A_283, %parallel_loop3A_284] {strides = array<i32>} : memref<128x128xf32, #tpu.memory_space<vmem>>, vector<1x16xf32>,
        %parallel_loop3A_286 = vector.shape_cast %parallel_loop3A_285 : vector<1x16xf32> to vector<16xf32>
        %parallel_loop3A_287 = arith.constant 11.3137083 : f32
        %parallel_loop3A_288 = vector.broadcast %parallel_loop3A_287 : f32 to vector<16xf32>
        %parallel_loop3A_289 = arith.mulf %parallel_loop3A_286, %parallel_loop3A_288 : vector<16xf32>
        %parallel_loop3A_290 = arith.index_cast %parallel_loop3A_210 : i32 to index
        %parallel_loop3A_291 = arith.constant 96 : index
        %parallel_loop3A_292 = tpu.vector_load %arg9[%parallel_loop3A_290, %parallel_loop3A_291] {strides = array<i32>} : memref<128x128xf32, #tpu.memory_space<vmem>>, vector<1x16xf32>,
        %parallel_loop3A_293 = vector.shape_cast %parallel_loop3A_292 : vector<1x16xf32> to vector<16xf32>
        %parallel_loop3A_294 = vector.shape_cast %parallel_loop3A_289 : vector<16xf32> to vector<1x16xf32>
        tpu.vector_store %arg9[%parallel_loop3A_290, %parallel_loop3A_291], %parallel_loop3A_294 {strides = array<i32>} : memref<128x128xf32, #tpu.memory_space<vmem>>, vector<1x16xf32>,
        %parallel_loop3A_295 = arith.index_cast %parallel_loop3A_210 : i32 to index
        %parallel_loop3A_296 = arith.constant 112 : index
        %parallel_loop3A_297 = tpu.vector_load %arg9[%parallel_loop3A_295, %parallel_loop3A_296] {strides = array<i32>} : memref<128x128xf32, #tpu.memory_space<vmem>>, vector<1x16xf32>,
        %parallel_loop3A_298 = vector.shape_cast %parallel_loop3A_297 : vector<1x16xf32> to vector<16xf32>
        %parallel_loop3A_299 = arith.constant 11.3137083 : f32
        %parallel_loop3A_300 = vector.broadcast %parallel_loop3A_299 : f32 to vector<16xf32>
        %parallel_loop3A_301 = arith.mulf %parallel_loop3A_298, %parallel_loop3A_300 : vector<16xf32>
        %parallel_loop3A_302 = arith.index_cast %parallel_loop3A_210 : i32 to index
        %parallel_loop3A_303 = arith.constant 112 : index
        %parallel_loop3A_304 = tpu.vector_load %arg9[%parallel_loop3A_302, %parallel_loop3A_303] {strides = array<i32>} : memref<128x128xf32, #tpu.memory_space<vmem>>, vector<1x16xf32>,
        %parallel_loop3A_305 = vector.shape_cast %parallel_loop3A_304 : vector<1x16xf32> to vector<16xf32>
        %parallel_loop3A_306 = vector.shape_cast %parallel_loop3A_301 : vector<16xf32> to vector<1x16xf32>
        tpu.vector_store %arg9[%parallel_loop3A_302, %parallel_loop3A_303], %parallel_loop3A_306 {strides = array<i32>} : memref<128x128xf32, #tpu.memory_space<vmem>>, vector<1x16xf32>,
      } {sc.loop_unroll_factor = 4 : i64, sc.parallel_access}
      %mul3A_167 = arith.constant 4096 : i32
      %mul3A_168 = arith.muli %add3A_143, %mul3A_167 : i32
      %mul3A_169 = arith.constant 128 : i32
      %mul3A_170 = arith.muli %add3A, %mul3A_169 : i32
      %add3A_171 = arith.addi %mul3A_168, %mul3A_170 : i32
      %dma_start3A_172 = arith.constant 0 : i32
      %dma_start3A_173 = tpu.memref_slice %arg4[%add3A_171, %dma_start3A_172] : memref<204800x128xf32, #tpu.memory_space<hbm>> -> memref<128x128xf32, #tpu.memory_space<hbm>>
      %dma_start3A_174 = arith.constant 0 : i32
      %dma_start3A_175 = tpu.memref_slice %arg4[%add3A_171, %dma_start3A_174] : memref<204800x128xf32, #tpu.memory_space<hbm>> -> memref<128x128xf32, #tpu.memory_space<hbm>>
      tpu.enqueue_dma source(%arg9 : memref<128x128xf32, #tpu.memory_space<vmem>>) target(%dma_start3A_175 : memref<128x128xf32, #tpu.memory_space<hbm>>) target_semaphore(%arg19 : memref<!tpu.dma_semaphore, #tpu.memory_space<semaphore_mem>>)
      %add3A_176 = arith.constant 4 : i32
      %add3A_177 = arith.addi %mul3A_45, %add3A_176 : i32
      %ge3A_178 = arith.constant 2 : i32
      %ge3A_179 = arith.cmpi sge, %add3A_177, %ge3A_178 : i32
      %convert_element_type3A_180 = arith.extui %ge3A_179 : i1 to i32
      %cond3A_181 = arith.constant 0 : i32
      %cond3A_182 = arith.cmpi ne, %convert_element_type3A_180, %cond3A_181 : i32
      scf.if %cond3A_182 {
        %sub3A_210 = arith.constant 2 : i32
        %sub3A_211 = arith.subi %add3A_177, %sub3A_210 : i32
        %mul3A_212 = arith.constant 4096 : i32
        %mul3A_213 = arith.muli %sub3A_211, %mul3A_212 : i32
        %mul3A_214 = arith.constant 128 : i32
        %mul3A_215 = arith.muli %add3A, %mul3A_214 : i32
        %add3A_216 = arith.addi %mul3A_213, %mul3A_215 : i32
        %dma_wait3A_217 = arith.constant 0 : i32
        %dma_wait3A_218 = tpu.memref_slice %arg4[%add3A_216, %dma_wait3A_217] : memref<204800x128xf32, #tpu.memory_space<hbm>> -> memref<128x128xf32, #tpu.memory_space<hbm>>
        %dma_wait3A_219 = arith.constant 0 : i32
        %dma_wait3A_220 = tpu.memref_slice %arg4[%add3A_216, %dma_wait3A_219] : memref<204800x128xf32, #tpu.memory_space<hbm>> -> memref<128x128xf32, #tpu.memory_space<hbm>>
        tpu.wait_dma2 semaphore(%arg18 : memref<!tpu.dma_semaphore, #tpu.memory_space<semaphore_mem>>) src(%arg8 : memref<128x128xf32, #tpu.memory_space<vmem>>) dst(%dma_wait3A_220 : memref<128x128xf32, #tpu.memory_space<hbm>>)
      } else {
      }
      %add3A_183 = arith.constant 5 : i32
      %add3A_184 = arith.addi %add3A_177, %add3A_183 : i32
      %sub3A_185 = arith.constant 2 : i32
      %sub3A_186 = arith.subi %add3A_184, %sub3A_185 : i32
      %lt3A_187 = arith.constant 50 : i32
      %lt3A_188 = arith.cmpi slt, %sub3A_186, %lt3A_187 : i32
      %convert_element_type3A_189 = arith.extui %lt3A_188 : i1 to i32
      %cond3A_190 = arith.constant 0 : i32
      %cond3A_191 = arith.cmpi ne, %convert_element_type3A_189, %cond3A_190 : i32
      scf.if %cond3A_191 {
        %add3A_210 = arith.constant 5 : i32
        %add3A_211 = arith.addi %add3A_177, %add3A_210 : i32
        %sub3A_212 = arith.constant 2 : i32
        %sub3A_213 = arith.subi %add3A_211, %sub3A_212 : i32
        %dma_start3A_214 = arith.constant 0 : i32
        %dma_start3A_215 = tpu.memref_slice %arg5[%sub3A_213, %dma_start3A_214] : memref<50x128xi32, #tpu.memory_space<vmem>> -> memref<1x128xi32, #tpu.memory_space<vmem>>
        %dma_start3A_216 = tpu.memref_squeeze %dma_start3A_215 : memref<1x128xi32, #tpu.memory_space<vmem>> -> memref<128xi32, #tpu.memory_space<vmem>>
        %dma_start3A_217 = arith.constant 0 : i32
        %dma_start3A_218 = arith.constant 0 : i32
        %dma_start3A_219 = tpu.memref_slice %arg2[%dma_start3A_217, %dma_start3A_218] : memref<100000x128xf32, #tpu.memory_space<hbm>> -> memref<100000x128xf32, #tpu.memory_space<hbm>>
        tpu.enqueue_indirect_dma source(%dma_start3A_219 : memref<100000x128xf32, #tpu.memory_space<hbm>>) target(%arg8 : memref<128x128xf32, #tpu.memory_space<vmem>>) offsets(%dma_start3A_216 : memref<128xi32, #tpu.memory_space<vmem>>) semaphore(%arg13 : memref<!tpu.dma_semaphore, #tpu.memory_space<semaphore_mem>>)
      } else {
      }
      %dma_wait3A_192 = arith.constant 0 : i32
      %dma_wait3A_193 = tpu.memref_slice %arg5[%add3A_177, %dma_wait3A_192] : memref<50x128xi32, #tpu.memory_space<vmem>> -> memref<1x128xi32, #tpu.memory_space<vmem>>
      %dma_wait3A_194 = tpu.memref_squeeze %dma_wait3A_193 : memref<1x128xi32, #tpu.memory_space<vmem>> -> memref<128xi32, #tpu.memory_space<vmem>>
      %dma_wait3A_195 = arith.constant 0 : i32
      %dma_wait3A_196 = arith.constant 0 : i32
      %dma_wait3A_197 = tpu.memref_slice %arg2[%dma_wait3A_195, %dma_wait3A_196] : memref<100000x128xf32, #tpu.memory_space<hbm>> -> memref<100000x128xf32, #tpu.memory_space<hbm>>
      tpu.wait_indirect_dma semaphore(%arg15 : memref<!tpu.dma_semaphore, #tpu.memory_space<semaphore_mem>>) src(%dma_wait3A_197 : memref<100000x128xf32, #tpu.memory_space<hbm>>) dst(%arg10 : memref<128x128xf32, #tpu.memory_space<vmem>>)
      %parallel_loop3A_198 = arith.constant 0 : i32
      %parallel_loop3A_199 = arith.constant 128 : i32
      %parallel_loop3A_200 = arith.constant 1 : i32
      scf.for %parallel_loop3A_210 = %parallel_loop3A_198 to %parallel_loop3A_199 step %parallel_loop3A_200  : i32 {
        %parallel_loop3A_211 = arith.index_cast %parallel_loop3A_210 : i32 to index
        %parallel_loop3A_212 = arith.constant 0 : index
        %parallel_loop3A_213 = tpu.vector_load %arg10[%parallel_loop3A_211, %parallel_loop3A_212] {strides = array<i32>} : memref<128x128xf32, #tpu.memory_space<vmem>>, vector<1x16xf32>,
        %parallel_loop3A_214 = vector.shape_cast %parallel_loop3A_213 : vector<1x16xf32> to vector<16xf32>
        %parallel_loop3A_215 = arith.constant 11.3137083 : f32
        %parallel_loop3A_216 = vector.broadcast %parallel_loop3A_215 : f32 to vector<16xf32>
        %parallel_loop3A_217 = arith.mulf %parallel_loop3A_214, %parallel_loop3A_216 : vector<16xf32>
        %parallel_loop3A_218 = arith.index_cast %parallel_loop3A_210 : i32 to index
        %parallel_loop3A_219 = arith.constant 0 : index
        %parallel_loop3A_220 = tpu.vector_load %arg10[%parallel_loop3A_218, %parallel_loop3A_219] {strides = array<i32>} : memref<128x128xf32, #tpu.memory_space<vmem>>, vector<1x16xf32>,
        %parallel_loop3A_221 = vector.shape_cast %parallel_loop3A_220 : vector<1x16xf32> to vector<16xf32>
        %parallel_loop3A_222 = vector.shape_cast %parallel_loop3A_217 : vector<16xf32> to vector<1x16xf32>
        tpu.vector_store %arg10[%parallel_loop3A_218, %parallel_loop3A_219], %parallel_loop3A_222 {strides = array<i32>} : memref<128x128xf32, #tpu.memory_space<vmem>>, vector<1x16xf32>,
        %parallel_loop3A_223 = arith.index_cast %parallel_loop3A_210 : i32 to index
        %parallel_loop3A_224 = arith.constant 16 : index
        %parallel_loop3A_225 = tpu.vector_load %arg10[%parallel_loop3A_223, %parallel_loop3A_224] {strides = array<i32>} : memref<128x128xf32, #tpu.memory_space<vmem>>, vector<1x16xf32>,
        %parallel_loop3A_226 = vector.shape_cast %parallel_loop3A_225 : vector<1x16xf32> to vector<16xf32>
        %parallel_loop3A_227 = arith.constant 11.3137083 : f32
        %parallel_loop3A_228 = vector.broadcast %parallel_loop3A_227 : f32 to vector<16xf32>
        %parallel_loop3A_229 = arith.mulf %parallel_loop3A_226, %parallel_loop3A_228 : vector<16xf32>
        %parallel_loop3A_230 = arith.index_cast %parallel_loop3A_210 : i32 to index
        %parallel_loop3A_231 = arith.constant 16 : index
        %parallel_loop3A_232 = tpu.vector_load %arg10[%parallel_loop3A_230, %parallel_loop3A_231] {strides = array<i32>} : memref<128x128xf32, #tpu.memory_space<vmem>>, vector<1x16xf32>,
        %parallel_loop3A_233 = vector.shape_cast %parallel_loop3A_232 : vector<1x16xf32> to vector<16xf32>
        %parallel_loop3A_234 = vector.shape_cast %parallel_loop3A_229 : vector<16xf32> to vector<1x16xf32>
        tpu.vector_store %arg10[%parallel_loop3A_230, %parallel_loop3A_231], %parallel_loop3A_234 {strides = array<i32>} : memref<128x128xf32, #tpu.memory_space<vmem>>, vector<1x16xf32>,
        %parallel_loop3A_235 = arith.index_cast %parallel_loop3A_210 : i32 to index
        %parallel_loop3A_236 = arith.constant 32 : index
        %parallel_loop3A_237 = tpu.vector_load %arg10[%parallel_loop3A_235, %parallel_loop3A_236] {strides = array<i32>} : memref<128x128xf32, #tpu.memory_space<vmem>>, vector<1x16xf32>,
        %parallel_loop3A_238 = vector.shape_cast %parallel_loop3A_237 : vector<1x16xf32> to vector<16xf32>
        %parallel_loop3A_239 = arith.constant 11.3137083 : f32
        %parallel_loop3A_240 = vector.broadcast %parallel_loop3A_239 : f32 to vector<16xf32>
        %parallel_loop3A_241 = arith.mulf %parallel_loop3A_238, %parallel_loop3A_240 : vector<16xf32>
        %parallel_loop3A_242 = arith.index_cast %parallel_loop3A_210 : i32 to index
        %parallel_loop3A_243 = arith.constant 32 : index
        %parallel_loop3A_244 = tpu.vector_load %arg10[%parallel_loop3A_242, %parallel_loop3A_243] {strides = array<i32>} : memref<128x128xf32, #tpu.memory_space<vmem>>, vector<1x16xf32>,
        %parallel_loop3A_245 = vector.shape_cast %parallel_loop3A_244 : vector<1x16xf32> to vector<16xf32>
        %parallel_loop3A_246 = vector.shape_cast %parallel_loop3A_241 : vector<16xf32> to vector<1x16xf32>
        tpu.vector_store %arg10[%parallel_loop3A_242, %parallel_loop3A_243], %parallel_loop3A_246 {strides = array<i32>} : memref<128x128xf32, #tpu.memory_space<vmem>>, vector<1x16xf32>,
        %parallel_loop3A_247 = arith.index_cast %parallel_loop3A_210 : i32 to index
        %parallel_loop3A_248 = arith.constant 48 : index
        %parallel_loop3A_249 = tpu.vector_load %arg10[%parallel_loop3A_247, %parallel_loop3A_248] {strides = array<i32>} : memref<128x128xf32, #tpu.memory_space<vmem>>, vector<1x16xf32>,
        %parallel_loop3A_250 = vector.shape_cast %parallel_loop3A_249 : vector<1x16xf32> to vector<16xf32>
        %parallel_loop3A_251 = arith.constant 11.3137083 : f32
        %parallel_loop3A_252 = vector.broadcast %parallel_loop3A_251 : f32 to vector<16xf32>
        %parallel_loop3A_253 = arith.mulf %parallel_loop3A_250, %parallel_loop3A_252 : vector<16xf32>
        %parallel_loop3A_254 = arith.index_cast %parallel_loop3A_210 : i32 to index
        %parallel_loop3A_255 = arith.constant 48 : index
        %parallel_loop3A_256 = tpu.vector_load %arg10[%parallel_loop3A_254, %parallel_loop3A_255] {strides = array<i32>} : memref<128x128xf32, #tpu.memory_space<vmem>>, vector<1x16xf32>,
        %parallel_loop3A_257 = vector.shape_cast %parallel_loop3A_256 : vector<1x16xf32> to vector<16xf32>
        %parallel_loop3A_258 = vector.shape_cast %parallel_loop3A_253 : vector<16xf32> to vector<1x16xf32>
        tpu.vector_store %arg10[%parallel_loop3A_254, %parallel_loop3A_255], %parallel_loop3A_258 {strides = array<i32>} : memref<128x128xf32, #tpu.memory_space<vmem>>, vector<1x16xf32>,
        %parallel_loop3A_259 = arith.index_cast %parallel_loop3A_210 : i32 to index
        %parallel_loop3A_260 = arith.constant 64 : index
        %parallel_loop3A_261 = tpu.vector_load %arg10[%parallel_loop3A_259, %parallel_loop3A_260] {strides = array<i32>} : memref<128x128xf32, #tpu.memory_space<vmem>>, vector<1x16xf32>,
        %parallel_loop3A_262 = vector.shape_cast %parallel_loop3A_261 : vector<1x16xf32> to vector<16xf32>
        %parallel_loop3A_263 = arith.constant 11.3137083 : f32
        %parallel_loop3A_264 = vector.broadcast %parallel_loop3A_263 : f32 to vector<16xf32>
        %parallel_loop3A_265 = arith.mulf %parallel_loop3A_262, %parallel_loop3A_264 : vector<16xf32>
        %parallel_loop3A_266 = arith.index_cast %parallel_loop3A_210 : i32 to index
        %parallel_loop3A_267 = arith.constant 64 : index
        %parallel_loop3A_268 = tpu.vector_load %arg10[%parallel_loop3A_266, %parallel_loop3A_267] {strides = array<i32>} : memref<128x128xf32, #tpu.memory_space<vmem>>, vector<1x16xf32>,
        %parallel_loop3A_269 = vector.shape_cast %parallel_loop3A_268 : vector<1x16xf32> to vector<16xf32>
        %parallel_loop3A_270 = vector.shape_cast %parallel_loop3A_265 : vector<16xf32> to vector<1x16xf32>
        tpu.vector_store %arg10[%parallel_loop3A_266, %parallel_loop3A_267], %parallel_loop3A_270 {strides = array<i32>} : memref<128x128xf32, #tpu.memory_space<vmem>>, vector<1x16xf32>,
        %parallel_loop3A_271 = arith.index_cast %parallel_loop3A_210 : i32 to index
        %parallel_loop3A_272 = arith.constant 80 : index
        %parallel_loop3A_273 = tpu.vector_load %arg10[%parallel_loop3A_271, %parallel_loop3A_272] {strides = array<i32>} : memref<128x128xf32, #tpu.memory_space<vmem>>, vector<1x16xf32>,
        %parallel_loop3A_274 = vector.shape_cast %parallel_loop3A_273 : vector<1x16xf32> to vector<16xf32>
        %parallel_loop3A_275 = arith.constant 11.3137083 : f32
        %parallel_loop3A_276 = vector.broadcast %parallel_loop3A_275 : f32 to vector<16xf32>
        %parallel_loop3A_277 = arith.mulf %parallel_loop3A_274, %parallel_loop3A_276 : vector<16xf32>
        %parallel_loop3A_278 = arith.index_cast %parallel_loop3A_210 : i32 to index
        %parallel_loop3A_279 = arith.constant 80 : index
        %parallel_loop3A_280 = tpu.vector_load %arg10[%parallel_loop3A_278, %parallel_loop3A_279] {strides = array<i32>} : memref<128x128xf32, #tpu.memory_space<vmem>>, vector<1x16xf32>,
        %parallel_loop3A_281 = vector.shape_cast %parallel_loop3A_280 : vector<1x16xf32> to vector<16xf32>
        %parallel_loop3A_282 = vector.shape_cast %parallel_loop3A_277 : vector<16xf32> to vector<1x16xf32>
        tpu.vector_store %arg10[%parallel_loop3A_278, %parallel_loop3A_279], %parallel_loop3A_282 {strides = array<i32>} : memref<128x128xf32, #tpu.memory_space<vmem>>, vector<1x16xf32>,
        %parallel_loop3A_283 = arith.index_cast %parallel_loop3A_210 : i32 to index
        %parallel_loop3A_284 = arith.constant 96 : index
        %parallel_loop3A_285 = tpu.vector_load %arg10[%parallel_loop3A_283, %parallel_loop3A_284] {strides = array<i32>} : memref<128x128xf32, #tpu.memory_space<vmem>>, vector<1x16xf32>,
        %parallel_loop3A_286 = vector.shape_cast %parallel_loop3A_285 : vector<1x16xf32> to vector<16xf32>
        %parallel_loop3A_287 = arith.constant 11.3137083 : f32
        %parallel_loop3A_288 = vector.broadcast %parallel_loop3A_287 : f32 to vector<16xf32>
        %parallel_loop3A_289 = arith.mulf %parallel_loop3A_286, %parallel_loop3A_288 : vector<16xf32>
        %parallel_loop3A_290 = arith.index_cast %parallel_loop3A_210 : i32 to index
        %parallel_loop3A_291 = arith.constant 96 : index
        %parallel_loop3A_292 = tpu.vector_load %arg10[%parallel_loop3A_290, %parallel_loop3A_291] {strides = array<i32>} : memref<128x128xf32, #tpu.memory_space<vmem>>, vector<1x16xf32>,
        %parallel_loop3A_293 = vector.shape_cast %parallel_loop3A_292 : vector<1x16xf32> to vector<16xf32>
        %parallel_loop3A_294 = vector.shape_cast %parallel_loop3A_289 : vector<16xf32> to vector<1x16xf32>
        tpu.vector_store %arg10[%parallel_loop3A_290, %parallel_loop3A_291], %parallel_loop3A_294 {strides = array<i32>} : memref<128x128xf32, #tpu.memory_space<vmem>>, vector<1x16xf32>,
        %parallel_loop3A_295 = arith.index_cast %parallel_loop3A_210 : i32 to index
        %parallel_loop3A_296 = arith.constant 112 : index
        %parallel_loop3A_297 = tpu.vector_load %arg10[%parallel_loop3A_295, %parallel_loop3A_296] {strides = array<i32>} : memref<128x128xf32, #tpu.memory_space<vmem>>, vector<1x16xf32>,
        %parallel_loop3A_298 = vector.shape_cast %parallel_loop3A_297 : vector<1x16xf32> to vector<16xf32>
        %parallel_loop3A_299 = arith.constant 11.3137083 : f32
        %parallel_loop3A_300 = vector.broadcast %parallel_loop3A_299 : f32 to vector<16xf32>
        %parallel_loop3A_301 = arith.mulf %parallel_loop3A_298, %parallel_loop3A_300 : vector<16xf32>
        %parallel_loop3A_302 = arith.index_cast %parallel_loop3A_210 : i32 to index
        %parallel_loop3A_303 = arith.constant 112 : index
        %parallel_loop3A_304 = tpu.vector_load %arg10[%parallel_loop3A_302, %parallel_loop3A_303] {strides = array<i32>} : memref<128x128xf32, #tpu.memory_space<vmem>>, vector<1x16xf32>,
        %parallel_loop3A_305 = vector.shape_cast %parallel_loop3A_304 : vector<1x16xf32> to vector<16xf32>
        %parallel_loop3A_306 = vector.shape_cast %parallel_loop3A_301 : vector<16xf32> to vector<1x16xf32>
        tpu.vector_store %arg10[%parallel_loop3A_302, %parallel_loop3A_303], %parallel_loop3A_306 {strides = array<i32>} : memref<128x128xf32, #tpu.memory_space<vmem>>, vector<1x16xf32>,
      } {sc.loop_unroll_factor = 4 : i64, sc.parallel_access}
      %mul3A_201 = arith.constant 4096 : i32
      %mul3A_202 = arith.muli %add3A_177, %mul3A_201 : i32
      %mul3A_203 = arith.constant 128 : i32
      %mul3A_204 = arith.muli %add3A, %mul3A_203 : i32
      %add3A_205 = arith.addi %mul3A_202, %mul3A_204 : i32
      %dma_start3A_206 = arith.constant 0 : i32
      %dma_start3A_207 = tpu.memref_slice %arg4[%add3A_205, %dma_start3A_206] : memref<204800x128xf32, #tpu.memory_space<hbm>> -> memref<128x128xf32, #tpu.memory_space<hbm>>
      %dma_start3A_208 = arith.constant 0 : i32
      %dma_start3A_209 = tpu.memref_slice %arg4[%add3A_205, %dma_start3A_208] : memref<204800x128xf32, #tpu.memory_space<hbm>> -> memref<128x128xf32, #tpu.memory_space<hbm>>
      tpu.enqueue_dma source(%arg10 : memref<128x128xf32, #tpu.memory_space<vmem>>) target(%dma_start3A_209 : memref<128x128xf32, #tpu.memory_space<hbm>>) target_semaphore(%arg20 : memref<!tpu.dma_semaphore, #tpu.memory_space<semaphore_mem>>)
    }
    %scan3A_27 = arith.constant 10 : i32
    %mul3A_28 = arith.constant 128 : i32
    %mul3A_29 = arith.muli %add3A, %mul3A_28 : i32
    %add3A_30 = arith.constant 196608 : i32
    %add3A_31 = arith.addi %add3A_30, %mul3A_29 : i32
    %dma_wait3A = arith.constant 0 : i32
    %dma_wait3A_32 = tpu.memref_slice %arg4[%add3A_31, %dma_wait3A] : memref<204800x128xf32, #tpu.memory_space<hbm>> -> memref<128x128xf32, #tpu.memory_space<hbm>>
    %dma_wait3A_33 = arith.constant 0 : i32
    %dma_wait3A_34 = tpu.memref_slice %arg4[%add3A_31, %dma_wait3A_33] : memref<204800x128xf32, #tpu.memory_space<hbm>> -> memref<128x128xf32, #tpu.memory_space<hbm>>
    tpu.wait_dma2 semaphore(%arg19 : memref<!tpu.dma_semaphore, #tpu.memory_space<semaphore_mem>>) src(%arg9 : memref<128x128xf32, #tpu.memory_space<vmem>>) dst(%dma_wait3A_34 : memref<128x128xf32, #tpu.memory_space<hbm>>)
    %mul3A_35 = arith.constant 128 : i32
    %mul3A_36 = arith.muli %add3A, %mul3A_35 : i32
    %add3A_37 = arith.constant 200704 : i32
    %add3A_38 = arith.addi %add3A_37, %mul3A_36 : i32
    %dma_wait3A_39 = arith.constant 0 : i32
    %dma_wait3A_40 = tpu.memref_slice %arg4[%add3A_38, %dma_wait3A_39] : memref<204800x128xf32, #tpu.memory_space<hbm>> -> memref<128x128xf32, #tpu.memory_space<hbm>>
    %dma_wait3A_41 = arith.constant 0 : i32
    %dma_wait3A_42 = tpu.memref_slice %arg4[%add3A_38, %dma_wait3A_41] : memref<204800x128xf32, #tpu.memory_space<hbm>> -> memref<128x128xf32, #tpu.memory_space<hbm>>
    tpu.wait_dma2 semaphore(%arg20 : memref<!tpu.dma_semaphore, #tpu.memory_space<semaphore_mem>>) src(%arg10 : memref<128x128xf32, #tpu.memory_space<vmem>>) dst(%dma_wait3A_42 : memref<128x128xf32, #tpu.memory_space<hbm>>)
    return
  }
}

</mosaic_0001>

<sc_bundles>
// kernel: _sc_gather.3.cloned.1.call-start
scs
__scs_entry_jumppad:
0x0: {  	(pc) =	sbr.rel $0x88, $3  }
0x1: {  	(tag) =	ssettag $0x0;
	lr =	simm.s32 $0x1  }
0x2: {  	[smem:$0x3F9F] =	sst lr;
	_ =	strace $0xD0000000  }
0x3: {  	_ = 	snop  }
0x4: {  	_ = 	snop  }
0x5: {  	_ = 	snop  }
0x6: {  	_ = 	snop  }
0x7: {  	_ = 	snop  }
__scs_overlays_trampoline_lowered:
0x8: {  	[smem:$0x3FAE] =	sst s0  }
0x9: {  	[smem:$0x3FAF] =	sst s1  }
0xa: {  	[smem:$0x3FB0] =	sst s2  }
0xb: {  	[smem:$0x3FB1] =	sst s3  }
0xc: {  	[smem:$0x3FB2] =	sst s4  }
0xd: {  	[smem:$0x3FB3] =	sst s5  }
0xe: {  	[smem:$0x3FB4] =	sst s6  }
0xf: {  	[smem:$0x3FB5] =	sst s7  }
0x10: {  	[smem:$0x3FB6] =	sst s8  }
0x11: {  	[smem:$0x3FB7] =	sst s9;
	s0 =	simm.s32 @!p0 $0x0  }
0x12: {  	s1 =	sld [smem:$0x3F9D];
	s0 =	simm.s32 @p0 $0x1  }
0x13: {  	[smem:$0x3FB8] =	sst s0;
	s0 =	simm.s32 @!p1 $0x0  }
0x14: {  	s2 =	sld [smem:$0x3F9C];
	s0 =	simm.s32 @p1 $0x1  }
0x15: {  	[smem:$0x3FB9] =	sst s0;
	s0 =	simm.s32 @!p2 $0x0  }
0x16: {  	s3 =	sld [smem:$0x3FDB];
	s0 =	simm.s32 @p2 $0x1  }
0x17: {  	s4 =	simm.s32 $0x1BF5;
	[smem:$0x3FBB] =	sst s0  }
0x18: {  	s0 =	sld [smem:$0x3F9E];
	_ =	swait.ge [sflag:s4], $0x0  }
0x19: {  	s7 =	sld [smem:$0x3F9F]  }
0x1a: {  	s8 =	sadd.s32 $0xFFFFE003, lr  }
0x1b: {  	s9 =	sadd.s32 $0xFFFFFEF7, lr;
	s5 =	simm.s32 $0xFFFFFFFF;
	p2 =	slt.u32 s8, $0xFFFFF086  }
0x1c: {  	p1 =	slt.u32 s9, $0xF7A;
	s5 =	simm.s32 @!p2 $0x0  }
0x1d: {  	s5 =	simm.s32 @p1 $0x1;
	p0 =	seq.s32 s7, s2  }
0x1e: {  	s7 =	smul.u32 @!p0 $0xF7A, s2;
	p2 =	seq.s32 @!p0 s5, $0x0  }
0x1f: {  	s9 =	smul.u32 $0xF7A, s1;
	s8 =	simm.s32 @!p0 $0x1BF5;
	p2 =	por !p2, p0  }
0x20: {  	[sflag:s8] =	ssyncset.s32 @!p0 $0xFFFFF086;
	s6 =	sadd.s32 @!p0 s3, s7;
	s7 =	simm.s32 @!p0 $0x108  }
0x21: {  	s3 =	sadd.s32 s3, s9;
	s6 =	sadd.s32 @!p0 $0x88, s6;
	s7 =	simm.s32 @p2 $0x1082  }
0x22: {  	[simem:s7], [sflag:s8] =	dma.local @!p0 [hbm:s6], $0xF7A  }
0x23: {  	s9 =	sor.u32 $0xD0000000, s2;
	s6 =	simm.s32 $0x108;
	_ =	swait.ge @!p0 [sflag:s8], $0x0  }
0x24: {  	s3 =	sadd.s32 $0x88, s3;
	s6 =	simm.s32 @!p1 $0x1082;
	[sflag:s4] =	ssyncset.s32 $0xFFFFF086  }
0x25: {  	[simem:s6], [sflag:s4] =	dma.local [hbm:s3], $0xF7A  }
0x26: {  	[smem:$0x3F9F] =	sst s1;
	(tag) =	ssettag s2;
	_ =	strace s9  }
0x27: {  	s1 =	sld [smem:$0x3FAF]  }
0x28: {  	s2 =	sld [smem:$0x3FB0]  }
0x29: {  	s4 =	sld [smem:$0x3FB2]  }
0x2a: {  	p0 =	seq.s32 s5, $0x0;
	s5 =	sld [smem:$0x3FB3]  }
0x2b: {  	s6 =	sld [smem:$0x3FB4]  }
0x2c: {  	s7 =	sld [smem:$0x3FB5]  }
0x2d: {  	s3 =	simm.s32 $0x108;
	s8 =	sld [smem:$0x3FB6]  }
0x2e: {  	s3 =	simm.s32 @!p0 $0x1082;
	s9 =	sld [smem:$0x3FB7]  }
0x2f: {  	lr =	sadd.s32 s0, s3;
	s0 =	sld [smem:$0x3FAE]  }
0x30: {  	s3 =	sld [smem:$0x3FB1]  }
0x31: {  	[smem:$0x3FBA] =	sst s10  }
0x32: {  	s10 =	sld [smem:$0x3FB8];
	_ =	sdelay $0x3  }
0x33: {  	p0 =	seq.s32 s10, $0x1;
	s10 =	sld [smem:$0x3FBA];
	_ =	sdelay $0x3  }
0x34: {  	[smem:$0x3FBA] =	sst s10  }
0x35: {  	s10 =	sld [smem:$0x3FB9];
	_ =	sdelay $0x3  }
0x36: {  	p1 =	seq.s32 s10, $0x1;
	s10 =	sld [smem:$0x3FBA];
	_ =	sdelay $0x3  }
0x37: {  	[smem:$0x3FBA] =	sst s10  }
0x38: {  	s10 =	sld [smem:$0x3FBB]  }
0x39: {  	_ = 	snop;
	(pc) =	sbr.ind lr, $3  }
0x3a: {  	_ = 	snop  }
0x3b: {  	_ = 	snop  }
0x3c: {  	p2 =	seq.s32 s10, $0x1;
	s10 =	sld [smem:$0x3FBA]  }
0x3d: {  	_ =	shalt  }
0x3e: {  	_ =	shalt  }
0x3f: {  	_ =	shalt  }
0x40: {  	_ =	shalt  }
0x41: {  	_ =	shalt  }
0x42: {  	_ =	shalt  }
0x43: {  	_ =	shalt  }
0x44: {  	_ =	shalt  }
0x45: {  	_ =	shalt  }
0x46: {  	_ =	shalt  }
0x47: {  	_ =	shalt  }
0x48: {  	_ =	shalt  }
0x49: {  	_ =	shalt  }
0x4a: {  	_ =	shalt  }
0x4b: {  	_ =	shalt  }
0x4c: {  	_ =	shalt  }
0x4d: {  	_ =	shalt  }
0x4e: {  	_ =	shalt  }
0x4f: {  	_ =	shalt  }
0x50: {  	_ =	shalt  }
0x51: {  	_ =	shalt  }
0x52: {  	_ =	shalt  }
0x53: {  	_ =	shalt  }
0x54: {  	_ =	shalt  }
0x55: {  	_ =	shalt  }
0x56: {  	_ =	shalt  }
0x57: {  	_ =	shalt  }
0x58: {  	_ =	shalt  }
0x59: {  	_ =	shalt  }
0x5a: {  	_ =	shalt  }
0x5b: {  	_ =	shalt  }
0x5c: {  	_ =	shalt  }
0x5d: {  	_ =	shalt  }
0x5e: {  	_ =	shalt  }
0x5f: {  	_ =	shalt  }
0x60: {  	_ =	shalt  }
0x61: {  	_ =	shalt  }
0x62: {  	_ =	shalt  }
0x63: {  	_ =	shalt  }
0x64: {  	_ =	shalt  }
0x65: {  	_ =	shalt  }
0x66: {  	_ =	shalt  }
0x67: {  	_ =	shalt  }
0x68: {  	_ =	shalt  }
0x69: {  	_ =	shalt  }
0x6a: {  	_ =	shalt  }
0x6b: {  	_ =	shalt  }
0x6c: {  	_ =	shalt  }
0x6d: {  	_ =	shalt  }
0x6e: {  	_ =	shalt  }
0x6f: {  	_ =	shalt  }
0x70: {  	_ =	shalt  }
0x71: {  	_ =	shalt  }
0x72: {  	_ =	shalt  }
0x73: {  	_ =	shalt  }
0x74: {  	_ =	shalt  }
0x75: {  	_ =	shalt  }
0x76: {  	_ =	shalt  }
0x77: {  	_ =	shalt  }
0x78: {  	_ =	shalt  }
0x79: {  	_ =	shalt  }
0x7a: {  	_ =	shalt  }
0x7b: {  	_ =	shalt  }
0x7c: {  	_ =	shalt  }
0x7d: {  	_ =	shalt  }
0x7e: {  	_ =	shalt  }
0x7f: {  	_ =	shalt  }
0x80: {  	_ =	shalt  }
0x81: {  	_ =	shalt  }
0x82: {  	_ =	shalt  }
0x83: {  	_ =	shalt  }
0x84: {  	_ =	shalt  }
0x85: {  	_ =	shalt  }
0x86: {  	_ =	shalt  }
0x87: {  	_ =	shalt  }
.Lfunc_end0:
.L_simem_size_0:
called_computation_lowered:
.L_overlay_start_0:
0x88: {  	s2 =	sld [smem:$0x3FD9]  }
0x89: {  	s3 =	sld [smem:$0x3FFE];
	_ =	sdelay $0x1  }
0x8a: {  	s1 =	srdreg.scid  }
0x8b: {  	s0 =	sand.u32 $0x1, s1  }
0x8c: {  	s18 =	sshll.u32 s0, $0xA;
	s2 =	sadd.s32 s3, s2  }
0x8d: {  	s2 =	sadd.s32 s2, s18  }
0x8e: {  	[smem:$0x3FC6] =	sst s2  }
0x8f: {  	_ = 	snop  }
0x90: {  	s2 =	sld [smem:$0x3FC9]  }
0x91: {  	s19 =	sld [smem:$0x3FC8]  }
0x92: {  	s4 =	sld [smem:$0x3FD0];
	(tm) =	ssettm $0x1  }
0x93: {  	s5 =	sld [smem:$0x3FFB];
	_ =	sdelay $0x3  }
0x94: {  	_ =	strace s5  }
0x95: {  	s5 =	sld [smem:$0x3FFC];
	_ =	sdelay $0x3  }
0x96: {  	_ =	strace s5  }
0x97: {  	s5 =	sld [smem:$0x3FFD];
	_ =	sdelay $0x3  }
0x98: {  	_ =	strace s5  }
0x99: {  	_ =	strace $0x8FFFFFFF  }
0x9a: {  	s20 =	sld [smem:$0x3FDB];
	_ =	sdelay $0x1  }
0x9b: {  	s6 =	simm.s32 $_scs_section_size  }
0x9c: {  	s7 =	simm.s32 $_size__tile_overlayer_lowered;
	s8 =	simm.s32 $_tile_overlayer_lowered  }
0x9d: {  	s23 =	simm.s32 $0x1BFF;
	s22 =	sshll.u32 s8, $0x1;
	s5 =	sadd.s32 s6, s20  }
0x9e: {  	s9 =	simm.s32 $0x0;
	s21 =	sshll.u32 s7, $0x1;
	s7 =	sadd.s32 s22, s5  }
0x9f: {  	[timem:s9], [sflag:s23] =	dma.local [hbm:s7], s21  }
0xa0: {  	_ =	swait.ge [sflag:s23], s21  }
0xa1: {  	s6 =	ssub.s32 $0x0, s21;
	[sflag:s23] =	ssyncset.done $0x0  }
0xa2: {  	[sflag:s23] =	ssyncadd.s32 s6;
	_ =	sdelay $0x1  }
0xa3: {  	s24 =	simm.s32 $0x1B8B  }
0xa4: {  	_ =	swait.ge [sflag:s24], $0x1  }
0xa5: {  	[sflag:s24] =	ssyncset.done $0x0  }
0xa6: {  	s25 =	simm.s32 $0x1B8E;
	[sflag:s24] =	ssyncadd.s32 $0xFFFFFFFF  }
0xa7: {  	s26 =	simm.s32 $execute0_lowered;
	[smem:$0x3FD2] =	sst s25  }
0xa8: {  	s6 =	sshll.u32 s26, $0x1;
	_ =	strace $0x80000046;
	[dreg:$0x1] =	wrdreg $0xFFFFFFFF  }
0xa9: {  	s28 =	simm.s32 $_size_execute0_lowered;
	s5 =	sadd.s32 s5, s6;
	[dreg:$0x0] =	wrdreg $0x0  }
0xaa: {  	s6 =	sshll.u32 s28, $0x1;
	[dreg:$0x2] =	wrdreg s5  }
0xab: {  	[dreg:$0x3] =	wrdreg s6  }
0xac: {  	[dreg:$0x4] =	wrdreg $0xC0  }
0xad: {  	_ =	task [dreg:s9], $0x5FFFF  }
0xae: {  	[dreg:$0x1] =	wrdreg $0xFFFFFFFF  }
0xaf: {  	[dreg:$0x0] =	wrdreg $0x60  }
0xb0: {  	[dreg:$0x2] =	wrdreg s2  }
0xb1: {  	[dreg:$0x3] =	wrdreg s19  }
0xb2: {  	[dreg:$0x4] =	wrdreg s4  }
0xb3: {  	[dreg:$0x5] =	wrdreg $0x9  }
0xb4: {  	_ =	task.clear_ibuf [dreg:s9], $0x6FFFF;
	_ =	strace $0x90000046  }
0xb5: {  	s29 =	simm.s32 $0x9;
	_ =	strace $0x80000048  }
0xb6: {  	_ =	swait.ge [sflag:s29], $0x1  }
0xb7: {  	[sflag:s29] =	ssyncadd.s32 $0xFFFFFFFF  }
0xb8: {  	_ =	strace $0x90000048  }
0xb9: {  	_ =	sfence  }
0xba: {  	s30 =	sld [smem:$0x0];
	_ =	sdelay $0x2  }
0xbb: {  	s31 =	sshll.u32 s1, $0xD;
	s1 =	sshrl.u32 s1, $0x2  }
0xbc: {  	s3 =	sand.u32 $0x4000, s31;
	s1 =	sadd.s32 s1, s30  }
0xbd: {  	s0 =	sor.u32 s3, s0;
	s1 =	sshll.u32 s1, $0x11  }
0xbe: {  	s0 =	sor.u32 s1, s0  }
0xbf: {  	s0 =	sadd.s32 $0x8F2B, s0  }
0xc0: {  	[sflag:s0] =	ssyncadd.remote.s32 $0x1  }
0xc1: {  	_ =	sfence.sel $0xFFFF  }
0xc2: {  	[dreg:$0x0] =	wrdreg $0xFFFFFFFF;
	(pc) =	sbr.abs _section_cstart, $3  }
0xc3: {  	[dreg:$0x1] =	wrdreg $0xFFFFFFFF  }
0xc4: {  	_ =	task.clear_ibuf [dreg:s9], $0x2FFFF;
	_ =	strace $0x9FFFFFFF  }
0xc5: {  	(tm) =	ssettm $0x7FFFFFFF  }
tec
execute0_lowered:
.L_overlay_start_1:
0x0: {  	(tag) =	ssettag $0x1  }
0x1: {  	s1 =	rddreg [dreg:$0x0]  }
0x2: {  	s0 =	rddreg [dreg:$0x1]  }
0x3: {  	s3 =	rddreg [dreg:$0x2]  }
0x4: {  	s2 =	srdreg.scid;
	s5 =	stileid.u32;
	s4 =	simm.s32 $0x0  }
0x5: {  	s16 =	simm.s32 $0x80;
	s17 =	simm.s32 $0x1C00;
	s18 =	simm.s32 $0x5C00  }
0x6: {  	s20 =	simm.s32 $0x9C00;
	s21 =	simm.s32 $0xDC00;
	s28 =	simm.s32 $0x7  }
0x7: {  	s29 =	simm.s32 $0x4;
	s30 =	simm.s32 $0x8;
	s31 =	simm.s32 $0x5  }
0x8: {  	s12 =	simm.s32 $0x0;
	s2 =	sand.u32 $0x1, s2;
	s5 =	sshll.u32 s5, $0x8  }
0x9: {  	[smem:$0x7FF] =	sst s4;
	s6 =	sshll.u32 s2, $0x7;
	s2 =	ssub.s32 $0x2, s2  }
0xa: {  	_ =	strace $0x80000047;
	s5 =	sor.u32 s6, s5;
	s22 =	sshrl.u32 s2, $0x1  }
0xb: {  	s7 =	sadd.s32 s0, s5;
	s23 =	ssub.s32 s2, s22;
	s25 =	sshll.u32 s5, $0x7  }
0xc: {  	s8 =	sor.u32 $0x2000, s5;
	s26 =	sshll.u32 s5, $0x4;
	s22 =	simm.s32 $0x1  }
0xd: {  	s2 =	simm.s32 $0xA;
	[dreg:$0x4] =	wrdreg s7;
	s24 =	sadd.s32 $0x6000, s7  }
0xe: {  	s9 =	sor.u32 $0x80000, s25;
	s10 =	sadd.s32 s3, s26;
	s0 =	smax.u32 s23, $0x1  }
0xf: {  	s23 =	simm.s32 $0x11C00;
	s25 =	simm.s32 $0x6;
	[dreg:$0x5] =	wrdreg s24  }
0x10: {  	s26 =	simm.s32 $0x3;
	[dreg:$0x6] =	wrdreg s0;
	s24 =	simm.s32 $0x2  }
.LBB2_1:
0x11: {  	s0 =	rddreg [dreg:$0x4];
	s6 =	simm.s32 $0x400;
	s7 =	simm.s32 $0x8000  }
0x12: {  	[tilespmem:s4], [sflag:$0xB] =	stream.strided.gather [hbm4b:s0+s6], $0x1800, s7, s6, $0x38;
	[tilespmem:$0x15C00] =	vst v63  }
0x13: {  	s13 =	rddreg [dreg:$0x5];
	s14 =	simm.s32 $0x1800;
	s15 =	simm.s32 $0xB  }
0x14: {  	[tilespmem:s14], [sflag:$0xB] =	stream.linear.gather [hbm4b:s13+s4], $0x100, $0x38;
	[tilespmem:$0x15C00] =	vst v63  }
0x15: {  	_ =	swait.ge [sflag:s15], $0x1900  }
0x16: {  	[sflag:s15] =	ssyncset.done $0x0  }
0x17: {  	[sflag:s15] =	ssyncadd.s32 $0xFFFFE700  }
0x18: {  	[tilespmem:s17], [sflag:$0x1] =	stream.indirect.gather [hbm4b:s1+s16], $0x80, s4, s16, $0xb8;
	[tilespmem:$0x15C00] =	vst v63  }
0x19: {  	_ = 	snop  }
0x1a: {  	[tilespmem:s18], [sflag:$0x2] =	stream.indirect.gather [hbm4b:s1+s16], $0x80, s16, s16, $0xb8;
	[tilespmem:$0x15C00] =	vst v63  }
0x1b: {  	s19 =	simm.s32 $0x100;
	s13 =	simm.s32 $0x0  }
0x1c: {  	[tilespmem:s20], [sflag:$0x3] =	stream.indirect.gather [hbm4b:s1+s16], $0x80, s19, s16, $0xb8;
	[tilespmem:$0x15C00] =	vst v63  }
.LBB2_2:
0x1d: {  	s11 =	smul.u32 $0x5, s13;
	p0 =	seq.s32 s13, $0x0  }
0x1e: {  	s0 =	simm.s32 @!p0 $0x9  }
0x1f: {  	_ =	swait.ge @!p0 [sflag:s0], $0x4000;
	s14 =	sadd.s32 $0x3, s11  }
0x20: {  	[sflag:s0] =	ssyncset.done @!p0 $0x0;
	s6 =	sshll.u32 s14, $0x7  }
0x21: {  	[sflag:s0] =	ssyncadd.s32 @!p0 $0xFFFFC000;
	s19 =	sand.u32 $0x3FFFFF80, s6  }
0x22: {  	[tilespmem:s21], [sflag:$0x4] =	stream.indirect.gather [hbm4b:s1+s16], $0x80, s19, s16, $0xb8;
	[tilespmem:$0x15C00] =	vst v63  }
0x23: {  	_ =	swait.ge [sflag:s22], $0x4000  }
0x24: {  	[sflag:s22] =	ssyncset.done $0x0  }
0x25: {  	s19 =	simm.s32 $0x1D00;
	[sflag:s22] =	ssyncadd.s32 $0xFFFFC000  }
0x26: {  	v0 =	vld [tilespmem:s19+$0xF0]  }
0x27: {  	v1 =	vld [tilespmem:s19+$0xFFFFFF10]  }
0x28: {  	v2 =	vld [tilespmem:s19+$0xFFFFFF20]  }
0x29: {  	v3 =	vld [tilespmem:s19+$0xFFFFFF30]  }
0x2a: {  	v6 =	vld [tilespmem:s19+$0xFFFFFF60]  }
0x2b: {  	v4 =	vld [tilespmem:s19+$0xFFFFFF40]  }
0x2c: {  	v5 =	vld [tilespmem:s19+$0xFFFFFF50];
	v0 =	vmul.f32 $1.131370830e+01, v0  }
0x2d: {  	v8 =	vld [tilespmem:s19+$0xFFFFFF80];
	v1 =	vmul.f32 $1.131370830e+01, v1  }
0x2e: {  	v7 =	vld [tilespmem:s19+$0xFFFFFF70];
	v2 =	vmul.f32 $1.131370830e+01, v2;
	[tilespmem:s19+$0xF0] =	vst v0  }
0x2f: {  	v6 =	vmul.f32 $1.131370830e+01, v6;
	v0 =	vld [tilespmem:s19+$0xFFFFFF90];
	[tilespmem:s19+$0xFFFFFF10] =	vst v1  }
0x30: {  	v1 =	vmul.f32 $1.131370830e+01, v3;
	v3 =	vld [tilespmem:s19+$0xFFFFFFA0];
	[tilespmem:s19+$0xFFFFFF20] =	vst v2;
	v2 =	vmul.f32 $1.131370830e+01, v4  }
0x31: {  	[tilespmem:s19+$0xFFFFFF60] =	vst v6;
	v6 =	vld [tilespmem:s19+$0xFFFFFFF0]  }
0x32: {  	v4 =	vld [tilespmem:s19+$0xFFFFFFB0];
	[tilespmem:s19+$0xFFFFFF40] =	vst v2;
	v2 =	vmul.f32 $1.131370830e+01, v8  }
0x33: {  	[tilespmem:s19+$0xFFFFFF30] =	vst v1;
	v1 =	vmul.f32 $1.131370830e+01, v5;
	v5 =	vld [tilespmem:s19+$0xFFFFFFC0]  }
0x34: {  	v8 =	vld [tilespmem:s19+$0xFFFFFFD0];
	[tilespmem:s19+$0xFFFFFF80] =	vst v2;
	v2 =	vmul.f32 $1.131370830e+01, v7  }
0x35: {  	[tilespmem:s19+$0xFFFFFF50] =	vst v1;
	v1 =	vld [tilespmem:s19+$0xFFFFFFE0];
	v0 =	vmul.f32 $1.131370830e+01, v0  }
0x36: {  	v7 =	vld [tilespmem:s19+$0x30];
	v6 =	vmul.f32 $1.131370830e+01, v6;
	[tilespmem:s19+$0xFFFFFF70] =	vst v2  }
0x37: {  	v2 =	vmul.f32 $1.131370830e+01, v3;
	v3 =	vld [tilespmem:s19+$0x0];
	[tilespmem:s19+$0xFFFFFF90] =	vst v0  }
0x38: {  	v0 =	vmul.f32 $1.131370830e+01, v4;
	v4 =	vld [tilespmem:s19+$0x10];
	[tilespmem:s19+$0xFFFFFFF0] =	vst v6  }
0x39: {  	[tilespmem:s19+$0xFFFFFFA0] =	vst v2;
	v2 =	vmul.f32 $1.131370830e+01, v5;
	v5 =	vld [tilespmem:s19+$0x20]  }
0x3a: {  	v6 =	vld [tilespmem:s19+$0x80];
	[tilespmem:s19+$0xFFFFFFB0] =	vst v0;
	v0 =	vmul.f32 $1.131370830e+01, v8  }
0x3b: {  	v1 =	vmul.f32 $1.131370830e+01, v1;
	[tilespmem:s19+$0xFFFFFFC0] =	vst v2;
	v2 =	vld [tilespmem:s19+$0x40]  }
0x3c: {  	[tilespmem:s19+$0xFFFFFFD0] =	vst v0;
	v0 =	vmul.f32 $1.131370830e+01, v3;
	v3 =	vld [tilespmem:s19+$0x50]  }
0x3d: {  	[tilespmem:s19+$0xFFFFFFE0] =	vst v1;
	v1 =	vld [tilespmem:s19+$0x60];
	v4 =	vmul.f32 $1.131370830e+01, v4  }
0x3e: {  	[tilespmem:s19+$0x0] =	vst v0;
	v0 =	vmul.f32 $1.131370830e+01, v5;
	v5 =	vld [tilespmem:s19+$0x70]  }
0x3f: {  	v6 =	vmul.f32 $1.131370830e+01, v6;
	[tilespmem:s19+$0x10] =	vst v4  }
0x40: {  	v4 =	vmul.f32 $1.131370830e+01, v7;
	v7 =	vld [tilespmem:s19+$0x90];
	[tilespmem:s19+$0x20] =	vst v0;
	v0 =	vmul.f32 $1.131370830e+01, v2  }
0x41: {  	v8 =	vld [tilespmem:s19+$0xA0];
	[tilespmem:s19+$0x80] =	vst v6;
	v2 =	vmul.f32 $1.131370830e+01, v3  }
0x42: {  	v3 =	vmul.f32 $1.131370830e+01, v1;
	[tilespmem:s19+$0x40] =	vst v0;
	v0 =	vld [tilespmem:s19+$0xB0]  }
0x43: {  	v1 =	vld [tilespmem:s19+$0xC0];
	[tilespmem:s19+$0x50] =	vst v2;
	v2 =	vmul.f32 $1.131370830e+01, v5  }
0x44: {  	[tilespmem:s19+$0x60] =	vst v3;
	v3 =	vld [tilespmem:s19+$0xD0]  }
0x45: {  	v5 =	vmul.f32 $1.131370830e+01, v7;
	[tilespmem:s19+$0x70] =	vst v2;
	v2 =	vld [tilespmem:s19+$0xE0]  }
0x46: {  	s7 =	simm.s32 $0x1F00;
	s6 =	simm.s32 $0x0;
	v6 =	vmul.f32 $1.131370830e+01, v8;
	[tilespmem:s19+$0x30] =	vst v4;
	v4 =	vld [tilespmem:s19+$0xFFFFFF00]  }
.LBB2_3:
0x47: {  	v7 =	vld [tilespmem:s7+$0xF0];
	s6 =	sadd.s32 $0x4, s6;
	[tilespmem:s19+$0x90] =	vst v5;
	v0 =	vmul.f32 $1.131370830e+01, v0  }
0x48: {  	v5 =	vld [tilespmem:s7+$0xFFFFFF10];
	p1 =	slt.u32 s6, $0x7C;
	[tilespmem:s19+$0xA0] =	vst v6;
	v1 =	vmul.f32 $1.131370830e+01, v1  }
0x49: {  	v6 =	vld [tilespmem:s7+$0xFFFFFF20];
	[tilespmem:s19+$0xB0] =	vst v0;
	v0 =	vmul.f32 $1.131370830e+01, v3  }
0x4a: {  	v3 =	vld [tilespmem:s7+$0xFFFFFF30];
	[tilespmem:s19+$0xC0] =	vst v1;
	v1 =	vmul.f32 $1.131370830e+01, v2  }
0x4b: {  	v2 =	vld [tilespmem:s7+$0xFFFFFF40];
	v4 =	vmul.f32 $1.131370830e+01, v4;
	[tilespmem:s19+$0xD0] =	vst v0  }
0x4c: {  	v0 =	vld [tilespmem:s7+$0xFFFFFF50];
	v7 =	vmul.f32 $1.131370830e+01, v7;
	[tilespmem:s19+$0xE0] =	vst v1  }
0x4d: {  	v1 =	vmul.f32 $1.131370830e+01, v5;
	v5 =	vld [tilespmem:s7+$0xFFFFFF60];
	[tilespmem:s19+$0xFFFFFF00] =	vst v4;
	s19 =	smov.u32 s7  }
0x4e: {  	v4 =	vmul.f32 $1.131370830e+01, v6;
	v6 =	vld [tilespmem:s7+$0xFFFFFF70];
	[tilespmem:s7+$0xF0] =	vst v7  }
0x4f: {  	[tilespmem:s7+$0xFFFFFF10] =	vst v1;
	v1 =	vmul.f32 $1.131370830e+01, v3;
	v3 =	vld [tilespmem:s7+$0xFFFFFF80]  }
0x50: {  	[tilespmem:s7+$0xFFFFFF20] =	vst v4;
	v2 =	vmul.f32 $1.131370830e+01, v2;
	v4 =	vld [tilespmem:s7+$0xFFFFFF90]  }
0x51: {  	[tilespmem:s7+$0xFFFFFF30] =	vst v1;
	v0 =	vmul.f32 $1.131370830e+01, v0;
	v1 =	vld [tilespmem:s7+$0xFFFFFFA0]  }
0x52: {  	[tilespmem:s7+$0xFFFFFF40] =	vst v2;
	v2 =	vmul.f32 $1.131370830e+01, v5;
	v5 =	vld [tilespmem:s7+$0xFFFFFFB0]  }
0x53: {  	[tilespmem:s7+$0xFFFFFF50] =	vst v0;
	v0 =	vmul.f32 $1.131370830e+01, v6;
	v6 =	vld [tilespmem:s7+$0xFFFFFFC0]  }
0x54: {  	[tilespmem:s7+$0xFFFFFF60] =	vst v2;
	v2 =	vmul.f32 $1.131370830e+01, v3;
	v3 =	vld [tilespmem:s7+$0xFFFFFFD0]  }
0x55: {  	[tilespmem:s7+$0xFFFFFF70] =	vst v0;
	v0 =	vmul.f32 $1.131370830e+01, v4;
	v4 =	vld [tilespmem:s7+$0xFFFFFFE0]  }
0x56: {  	[tilespmem:s7+$0xFFFFFF80] =	vst v2;
	v1 =	vmul.f32 $1.131370830e+01, v1;
	v2 =	vld [tilespmem:s7+$0xFFFFFFF0]  }
0x57: {  	[tilespmem:s7+$0xFFFFFF90] =	vst v0;
	v0 =	vmul.f32 $1.131370830e+01, v5;
	v5 =	vld [tilespmem:s7+$0x0]  }
0x58: {  	[tilespmem:s7+$0xFFFFFFA0] =	vst v1;
	v1 =	vmul.f32 $1.131370830e+01, v6;
	v6 =	vld [tilespmem:s7+$0x10]  }
0x59: {  	[tilespmem:s7+$0xFFFFFFB0] =	vst v0;
	v0 =	vmul.f32 $1.131370830e+01, v3;
	v3 =	vld [tilespmem:s7+$0x20]  }
0x5a: {  	[tilespmem:s7+$0xFFFFFFC0] =	vst v1;
	v1 =	vmul.f32 $1.131370830e+01, v4;
	v4 =	vld [tilespmem:s7+$0x30]  }
0x5b: {  	[tilespmem:s7+$0xFFFFFFD0] =	vst v0;
	v0 =	vmul.f32 $1.131370830e+01, v2;
	v2 =	vld [tilespmem:s7+$0x40]  }
0x5c: {  	[tilespmem:s7+$0xFFFFFFE0] =	vst v1;
	v1 =	vmul.f32 $1.131370830e+01, v5;
	v5 =	vld [tilespmem:s7+$0x50]  }
0x5d: {  	[tilespmem:s7+$0xFFFFFFF0] =	vst v0;
	v0 =	vmul.f32 $1.131370830e+01, v6;
	v6 =	vld [tilespmem:s7+$0x60]  }
0x5e: {  	[tilespmem:s7+$0x0] =	vst v1;
	v1 =	vmul.f32 $1.131370830e+01, v3;
	v3 =	vld [tilespmem:s7+$0x70]  }
0x5f: {  	[tilespmem:s7+$0x10] =	vst v0;
	v0 =	vmul.f32 $1.131370830e+01, v4;
	v4 =	vld [tilespmem:s7+$0x80]  }
0x60: {  	[tilespmem:s7+$0x20] =	vst v1;
	v1 =	vmul.f32 $1.131370830e+01, v2;
	v2 =	vld [tilespmem:s7+$0x90]  }
0x61: {  	[tilespmem:s7+$0x30] =	vst v0;
	v5 =	vmul.f32 $1.131370830e+01, v5;
	v7 =	vld [tilespmem:s7+$0xA0]  }
.Ltmp0:
0x62: {  	[tilespmem:s7+$0x40] =	vst v1;
	v6 =	vmul.f32 $1.131370830e+01, v6;
	v0 =	vld [tilespmem:s7+$0xB0];
	(pc) =	sbr.rel @p1 .LBB2_3-.Ltmp0, $4  }
0x63: {  	[tilespmem:s7+$0x50] =	vst v5;
	v5 =	vmul.f32 $1.131370830e+01, v3;
	v1 =	vld [tilespmem:s7+$0xC0]  }
0x64: {  	[tilespmem:s7+$0x60] =	vst v6;
	v6 =	vmul.f32 $1.131370830e+01, v4;
	v3 =	vld [tilespmem:s7+$0xD0]  }
0x65: {  	[tilespmem:s7+$0x70] =	vst v5;
	v5 =	vmul.f32 $1.131370830e+01, v2;
	v2 =	vld [tilespmem:s7+$0xE0]  }
0x66: {  	s7 =	sadd.s32 $0x200, s7;
	v4 =	vld [tilespmem:s19+$0xFFFFFF00];
	[tilespmem:s19+$0x80] =	vst v6;
	v6 =	vmul.f32 $1.131370830e+01, v7  }
0x67: {  	[tilespmem:s19+$0x90] =	vst v5;
	v0 =	vmul.f32 $1.131370830e+01, v0  }
0x68: {  	[tilespmem:s19+$0xA0] =	vst v6;
	v1 =	vmul.f32 $1.131370830e+01, v1  }
0x69: {  	s7 =	smul.u32 $0x5000, s13;
	[tilespmem:s19+$0xB0] =	vst v0;
	v0 =	vmul.f32 $1.131370830e+01, v3  }
0x6a: {  	[tilespmem:s19+$0xC0] =	vst v1;
	v1 =	vmul.f32 $1.131370830e+01, v2  }
0x6b: {  	s0 =	sor.u32 s5, s7;
	v2 =	vmul.f32 $1.131370830e+01, v4;
	[tilespmem:s19+$0xD0] =	vst v0  }
0x6c: {  	s0 =	sshll.u32 s0, $0x4;
	[tilespmem:s19+$0xE0] =	vst v1  }
0x6d: {  	s0 =	sadd.s32 s3, s0;
	[tilespmem:s19+$0xFFFFFF00] =	vst v2  }
0x6e: {  	[hbm4b:s0+s4] =	stream.linear.scatter [tilespmem:s17], [sflag:$0x6], $0x4000, $0x38;
	[tilespmem:$0x15C00] =	vst v63  }
0x6f: {  	s0 =	simm.s32 @!p0 $0xA  }
0x70: {  	s19 =	sadd.s32 $0x4, s11;
	_ =	swait.ge @!p0 [sflag:s0], $0x4000  }
0x71: {  	s6 =	sshll.u32 s19, $0x7;
	[sflag:s0] =	ssyncset.done @!p0 $0x0  }
0x72: {  	s15 =	sand.u32 $0x3FFFFF80, s6;
	[sflag:s0] =	ssyncadd.s32 @!p0 $0xFFFFC000  }
0x73: {  	[tilespmem:s23], [sflag:$0x5] =	stream.indirect.gather [hbm4b:s1+s16], $0x80, s15, s16, $0xb8;
	[tilespmem:$0x15C00] =	vst v63  }
0x74: {  	_ =	swait.ge [sflag:s24], $0x4000  }
0x75: {  	[sflag:s24] =	ssyncset.done $0x0  }
0x76: {  	s11 =	simm.s32 $0x5D00;
	[sflag:s24] =	ssyncadd.s32 $0xFFFFC000  }
0x77: {  	v0 =	vld [tilespmem:s11+$0xF0]  }
0x78: {  	v1 =	vld [tilespmem:s11+$0xFFFFFF10]  }
0x79: {  	v2 =	vld [tilespmem:s11+$0xFFFFFF20]  }
0x7a: {  	v3 =	vld [tilespmem:s11+$0xFFFFFF30]  }
0x7b: {  	v6 =	vld [tilespmem:s11+$0xFFFFFF60]  }
0x7c: {  	v4 =	vld [tilespmem:s11+$0xFFFFFF40]  }
0x7d: {  	v5 =	vld [tilespmem:s11+$0xFFFFFF50];
	v0 =	vmul.f32 $1.131370830e+01, v0  }
0x7e: {  	v8 =	vld [tilespmem:s11+$0xFFFFFF80];
	v1 =	vmul.f32 $1.131370830e+01, v1  }
0x7f: {  	v7 =	vld [tilespmem:s11+$0xFFFFFF70];
	v2 =	vmul.f32 $1.131370830e+01, v2;
	[tilespmem:s11+$0xF0] =	vst v0  }
0x80: {  	v6 =	vmul.f32 $1.131370830e+01, v6;
	v0 =	vld [tilespmem:s11+$0xFFFFFF90];
	[tilespmem:s11+$0xFFFFFF10] =	vst v1  }
0x81: {  	v1 =	vmul.f32 $1.131370830e+01, v3;
	v3 =	vld [tilespmem:s11+$0xFFFFFFA0];
	[tilespmem:s11+$0xFFFFFF20] =	vst v2;
	v2 =	vmul.f32 $1.131370830e+01, v4  }
0x82: {  	[tilespmem:s11+$0xFFFFFF60] =	vst v6;
	v6 =	vld [tilespmem:s11+$0xFFFFFFF0]  }
0x83: {  	v4 =	vld [tilespmem:s11+$0xFFFFFFB0];
	[tilespmem:s11+$0xFFFFFF40] =	vst v2;
	v2 =	vmul.f32 $1.131370830e+01, v8  }
0x84: {  	[tilespmem:s11+$0xFFFFFF30] =	vst v1;
	v1 =	vmul.f32 $1.131370830e+01, v5;
	v5 =	vld [tilespmem:s11+$0xFFFFFFC0]  }
0x85: {  	v8 =	vld [tilespmem:s11+$0xFFFFFFD0];
	[tilespmem:s11+$0xFFFFFF80] =	vst v2;
	v2 =	vmul.f32 $1.131370830e+01, v7  }
0x86: {  	[tilespmem:s11+$0xFFFFFF50] =	vst v1;
	v1 =	vld [tilespmem:s11+$0xFFFFFFE0];
	v0 =	vmul.f32 $1.131370830e+01, v0  }
0x87: {  	v7 =	vld [tilespmem:s11+$0x30];
	v6 =	vmul.f32 $1.131370830e+01, v6;
	[tilespmem:s11+$0xFFFFFF70] =	vst v2  }
0x88: {  	v2 =	vmul.f32 $1.131370830e+01, v3;
	v3 =	vld [tilespmem:s11+$0x0];
	[tilespmem:s11+$0xFFFFFF90] =	vst v0  }
0x89: {  	v0 =	vmul.f32 $1.131370830e+01, v4;
	v4 =	vld [tilespmem:s11+$0x10];
	[tilespmem:s11+$0xFFFFFFF0] =	vst v6  }
0x8a: {  	[tilespmem:s11+$0xFFFFFFA0] =	vst v2;
	v2 =	vmul.f32 $1.131370830e+01, v5;
	v5 =	vld [tilespmem:s11+$0x20]  }
0x8b: {  	v6 =	vld [tilespmem:s11+$0x80];
	[tilespmem:s11+$0xFFFFFFB0] =	vst v0;
	v0 =	vmul.f32 $1.131370830e+01, v8  }
0x8c: {  	v1 =	vmul.f32 $1.131370830e+01, v1;
	[tilespmem:s11+$0xFFFFFFC0] =	vst v2;
	v2 =	vld [tilespmem:s11+$0x40]  }
0x8d: {  	[tilespmem:s11+$0xFFFFFFD0] =	vst v0;
	v0 =	vmul.f32 $1.131370830e+01, v3;
	v3 =	vld [tilespmem:s11+$0x50]  }
0x8e: {  	[tilespmem:s11+$0xFFFFFFE0] =	vst v1;
	v1 =	vld [tilespmem:s11+$0x60];
	v4 =	vmul.f32 $1.131370830e+01, v4  }
0x8f: {  	[tilespmem:s11+$0x0] =	vst v0;
	v0 =	vmul.f32 $1.131370830e+01, v5;
	v5 =	vld [tilespmem:s11+$0x70]  }
0x90: {  	v6 =	vmul.f32 $1.131370830e+01, v6;
	[tilespmem:s11+$0x10] =	vst v4  }
0x91: {  	v4 =	vmul.f32 $1.131370830e+01, v7;
	v7 =	vld [tilespmem:s11+$0x90];
	[tilespmem:s11+$0x20] =	vst v0;
	v0 =	vmul.f32 $1.131370830e+01, v2  }
0x92: {  	v8 =	vld [tilespmem:s11+$0xA0];
	[tilespmem:s11+$0x80] =	vst v6;
	v2 =	vmul.f32 $1.131370830e+01, v3  }
0x93: {  	v3 =	vmul.f32 $1.131370830e+01, v1;
	[tilespmem:s11+$0x40] =	vst v0;
	v0 =	vld [tilespmem:s11+$0xB0]  }
0x94: {  	v1 =	vld [tilespmem:s11+$0xC0];
	[tilespmem:s11+$0x50] =	vst v2;
	v2 =	vmul.f32 $1.131370830e+01, v5  }
0x95: {  	[tilespmem:s11+$0x60] =	vst v3;
	v3 =	vld [tilespmem:s11+$0xD0]  }
0x96: {  	v5 =	vmul.f32 $1.131370830e+01, v7;
	[tilespmem:s11+$0x70] =	vst v2;
	v2 =	vld [tilespmem:s11+$0xE0]  }
0x97: {  	s6 =	simm.s32 $0x0;
	s15 =	simm.s32 $0x5F00;
	v6 =	vmul.f32 $1.131370830e+01, v8;
	[tilespmem:s11+$0x30] =	vst v4;
	v4 =	vld [tilespmem:s11+$0xFFFFFF00]  }
.LBB2_5:
0x98: {  	v7 =	vld [tilespmem:s15+$0xF0];
	s6 =	sadd.s32 $0x4, s6;
	[tilespmem:s11+$0x90] =	vst v5;
	v0 =	vmul.f32 $1.131370830e+01, v0  }
0x99: {  	v5 =	vld [tilespmem:s15+$0xFFFFFF10];
	p0 =	slt.u32 s6, $0x7C;
	[tilespmem:s11+$0xA0] =	vst v6;
	v1 =	vmul.f32 $1.131370830e+01, v1  }
0x9a: {  	v6 =	vld [tilespmem:s15+$0xFFFFFF20];
	[tilespmem:s11+$0xB0] =	vst v0;
	v0 =	vmul.f32 $1.131370830e+01, v3  }
0x9b: {  	v3 =	vld [tilespmem:s15+$0xFFFFFF30];
	[tilespmem:s11+$0xC0] =	vst v1;
	v1 =	vmul.f32 $1.131370830e+01, v2  }
0x9c: {  	v2 =	vld [tilespmem:s15+$0xFFFFFF40];
	v4 =	vmul.f32 $1.131370830e+01, v4;
	[tilespmem:s11+$0xD0] =	vst v0  }
0x9d: {  	v0 =	vld [tilespmem:s15+$0xFFFFFF50];
	v7 =	vmul.f32 $1.131370830e+01, v7;
	[tilespmem:s11+$0xE0] =	vst v1  }
0x9e: {  	v1 =	vmul.f32 $1.131370830e+01, v5;
	v5 =	vld [tilespmem:s15+$0xFFFFFF60];
	[tilespmem:s11+$0xFFFFFF00] =	vst v4;
	s11 =	smov.u32 s15  }
0x9f: {  	v4 =	vmul.f32 $1.131370830e+01, v6;
	v6 =	vld [tilespmem:s15+$0xFFFFFF70];
	[tilespmem:s15+$0xF0] =	vst v7  }
0xa0: {  	[tilespmem:s15+$0xFFFFFF10] =	vst v1;
	v1 =	vmul.f32 $1.131370830e+01, v3;
	v3 =	vld [tilespmem:s15+$0xFFFFFF80]  }
0xa1: {  	[tilespmem:s15+$0xFFFFFF20] =	vst v4;
	v2 =	vmul.f32 $1.131370830e+01, v2;
	v4 =	vld [tilespmem:s15+$0xFFFFFF90]  }
0xa2: {  	[tilespmem:s15+$0xFFFFFF30] =	vst v1;
	v0 =	vmul.f32 $1.131370830e+01, v0;
	v1 =	vld [tilespmem:s15+$0xFFFFFFA0]  }
0xa3: {  	[tilespmem:s15+$0xFFFFFF40] =	vst v2;
	v2 =	vmul.f32 $1.131370830e+01, v5;
	v5 =	vld [tilespmem:s15+$0xFFFFFFB0]  }
0xa4: {  	[tilespmem:s15+$0xFFFFFF50] =	vst v0;
	v0 =	vmul.f32 $1.131370830e+01, v6;
	v6 =	vld [tilespmem:s15+$0xFFFFFFC0]  }
0xa5: {  	[tilespmem:s15+$0xFFFFFF60] =	vst v2;
	v2 =	vmul.f32 $1.131370830e+01, v3;
	v3 =	vld [tilespmem:s15+$0xFFFFFFD0]  }
0xa6: {  	[tilespmem:s15+$0xFFFFFF70] =	vst v0;
	v0 =	vmul.f32 $1.131370830e+01, v4;
	v4 =	vld [tilespmem:s15+$0xFFFFFFE0]  }
0xa7: {  	[tilespmem:s15+$0xFFFFFF80] =	vst v2;
	v1 =	vmul.f32 $1.131370830e+01, v1;
	v2 =	vld [tilespmem:s15+$0xFFFFFFF0]  }
0xa8: {  	[tilespmem:s15+$0xFFFFFF90] =	vst v0;
	v0 =	vmul.f32 $1.131370830e+01, v5;
	v5 =	vld [tilespmem:s15+$0x0]  }
0xa9: {  	[tilespmem:s15+$0xFFFFFFA0] =	vst v1;
	v1 =	vmul.f32 $1.131370830e+01, v6;
	v6 =	vld [tilespmem:s15+$0x10]  }
0xaa: {  	[tilespmem:s15+$0xFFFFFFB0] =	vst v0;
	v0 =	vmul.f32 $1.131370830e+01, v3;
	v3 =	vld [tilespmem:s15+$0x20]  }
0xab: {  	[tilespmem:s15+$0xFFFFFFC0] =	vst v1;
	v1 =	vmul.f32 $1.131370830e+01, v4;
	v4 =	vld [tilespmem:s15+$0x30]  }
0xac: {  	[tilespmem:s15+$0xFFFFFFD0] =	vst v0;
	v0 =	vmul.f32 $1.131370830e+01, v2;
	v2 =	vld [tilespmem:s15+$0x40]  }
0xad: {  	[tilespmem:s15+$0xFFFFFFE0] =	vst v1;
	v1 =	vmul.f32 $1.131370830e+01, v5;
	v5 =	vld [tilespmem:s15+$0x50]  }
0xae: {  	[tilespmem:s15+$0xFFFFFFF0] =	vst v0;
	v0 =	vmul.f32 $1.131370830e+01, v6;
	v6 =	vld [tilespmem:s15+$0x60]  }
0xaf: {  	[tilespmem:s15+$0x0] =	vst v1;
	v1 =	vmul.f32 $1.131370830e+01, v3;
	v3 =	vld [tilespmem:s15+$0x70]  }
0xb0: {  	[tilespmem:s15+$0x10] =	vst v0;
	v0 =	vmul.f32 $1.131370830e+01, v4;
	v4 =	vld [tilespmem:s15+$0x80]  }
0xb1: {  	[tilespmem:s15+$0x20] =	vst v1;
	v1 =	vmul.f32 $1.131370830e+01, v2;
	v2 =	vld [tilespmem:s15+$0x90]  }
0xb2: {  	[tilespmem:s15+$0x30] =	vst v0;
	v5 =	vmul.f32 $1.131370830e+01, v5;
	v7 =	vld [tilespmem:s15+$0xA0]  }
.Ltmp1:
0xb3: {  	[tilespmem:s15+$0x40] =	vst v1;
	v6 =	vmul.f32 $1.131370830e+01, v6;
	v0 =	vld [tilespmem:s15+$0xB0];
	(pc) =	sbr.rel @p0 .LBB2_5-.Ltmp1, $4  }
0xb4: {  	[tilespmem:s15+$0x50] =	vst v5;
	v5 =	vmul.f32 $1.131370830e+01, v3;
	v1 =	vld [tilespmem:s15+$0xC0]  }
0xb5: {  	[tilespmem:s15+$0x60] =	vst v6;
	v6 =	vmul.f32 $1.131370830e+01, v4;
	v3 =	vld [tilespmem:s15+$0xD0]  }
0xb6: {  	[tilespmem:s15+$0x70] =	vst v5;
	v5 =	vmul.f32 $1.131370830e+01, v2;
	v2 =	vld [tilespmem:s15+$0xE0]  }
0xb7: {  	s15 =	sadd.s32 $0x200, s15;
	v4 =	vld [tilespmem:s11+$0xFFFFFF00];
	[tilespmem:s11+$0x80] =	vst v6;
	v6 =	vmul.f32 $1.131370830e+01, v7  }
0xb8: {  	[tilespmem:s11+$0x90] =	vst v5;
	v0 =	vmul.f32 $1.131370830e+01, v0  }
0xb9: {  	[tilespmem:s11+$0xA0] =	vst v6;
	v1 =	vmul.f32 $1.131370830e+01, v1  }
0xba: {  	s0 =	smul.u32 $0x280000, s13;
	[tilespmem:s11+$0xB0] =	vst v0;
	v0 =	vmul.f32 $1.131370830e+01, v3  }
0xbb: {  	[tilespmem:s11+$0xC0] =	vst v1;
	v1 =	vmul.f32 $1.131370830e+01, v2  }
0xbc: {  	s0 =	sadd.s32 s9, s0;
	v2 =	vmul.f32 $1.131370830e+01, v4;
	[tilespmem:s11+$0xD0] =	vst v0  }
0xbd: {  	s0 =	sshrl.u32 s0, $0x3;
	[tilespmem:s11+$0xE0] =	vst v1  }
0xbe: {  	p0 =	seq.s32 s13, $0x9;
	s0 =	sadd.s32 s3, s0;
	[tilespmem:s11+$0xFFFFFF00] =	vst v2  }
0xbf: {  	[hbm4b:s0+s4] =	stream.linear.scatter [tilespmem:s18], [sflag:$0x7], $0x4000, $0x38;
	[tilespmem:$0x15C00] =	vst v63  }
0xc0: {  	s0 =	smul.u32 @!p0 $0xA00, s13  }
0xc1: {  	_ =	swait.ge [sflag:s25], $0x4000  }
0xc2: {  	s6 =	simm.s32 @!p0 $0x80;
	[sflag:s25] =	ssyncset.done $0x0;
	s11 =	sshra.s32 @!p0 s0, $0x2  }
0xc3: {  	s15 =	simm.s32 @!p0 $0x1C00;
	[sflag:s25] =	ssyncadd.s32 $0xFFFFC000;
	s0 =	sadd.s32 @!p0 $0x280, s11  }
0xc4: {  	[tilespmem:s15], [sflag:$0x1] =	stream.indirect.gather @!p0 [hbm4b:s1+s6], $0x80, s0, s6, $0xb8;
	[tilespmem:$0x15C00] =	vst v63  }
0xc5: {  	_ =	swait.ge [sflag:s26], $0x4000  }
0xc6: {  	[sflag:s26] =	ssyncset.done $0x0  }
0xc7: {  	s6 =	simm.s32 $0x9D00;
	[sflag:s26] =	ssyncadd.s32 $0xFFFFC000  }
0xc8: {  	v0 =	vld [tilespmem:s6+$0xF0]  }
0xc9: {  	v1 =	vld [tilespmem:s6+$0xFFFFFF10]  }
0xca: {  	v2 =	vld [tilespmem:s6+$0xFFFFFF20]  }
0xcb: {  	v3 =	vld [tilespmem:s6+$0xFFFFFF30]  }
0xcc: {  	v6 =	vld [tilespmem:s6+$0xFFFFFF60]  }
0xcd: {  	v4 =	vld [tilespmem:s6+$0xFFFFFF40]  }
0xce: {  	v5 =	vld [tilespmem:s6+$0xFFFFFF50];
	v0 =	vmul.f32 $1.131370830e+01, v0  }
0xcf: {  	v8 =	vld [tilespmem:s6+$0xFFFFFF80];
	v1 =	vmul.f32 $1.131370830e+01, v1  }
0xd0: {  	v7 =	vld [tilespmem:s6+$0xFFFFFF70];
	v2 =	vmul.f32 $1.131370830e+01, v2;
	[tilespmem:s6+$0xF0] =	vst v0  }
0xd1: {  	v6 =	vmul.f32 $1.131370830e+01, v6;
	v0 =	vld [tilespmem:s6+$0xFFFFFF90];
	[tilespmem:s6+$0xFFFFFF10] =	vst v1  }
0xd2: {  	v1 =	vmul.f32 $1.131370830e+01, v3;
	v3 =	vld [tilespmem:s6+$0xFFFFFFA0];
	[tilespmem:s6+$0xFFFFFF20] =	vst v2;
	v2 =	vmul.f32 $1.131370830e+01, v4  }
0xd3: {  	[tilespmem:s6+$0xFFFFFF60] =	vst v6;
	v6 =	vld [tilespmem:s6+$0xFFFFFFF0]  }
0xd4: {  	v4 =	vld [tilespmem:s6+$0xFFFFFFB0];
	[tilespmem:s6+$0xFFFFFF40] =	vst v2;
	v2 =	vmul.f32 $1.131370830e+01, v8  }
0xd5: {  	[tilespmem:s6+$0xFFFFFF30] =	vst v1;
	v1 =	vmul.f32 $1.131370830e+01, v5;
	v5 =	vld [tilespmem:s6+$0xFFFFFFC0]  }
0xd6: {  	v8 =	vld [tilespmem:s6+$0xFFFFFFD0];
	[tilespmem:s6+$0xFFFFFF80] =	vst v2;
	v2 =	vmul.f32 $1.131370830e+01, v7  }
0xd7: {  	[tilespmem:s6+$0xFFFFFF50] =	vst v1;
	v1 =	vld [tilespmem:s6+$0xFFFFFFE0];
	v0 =	vmul.f32 $1.131370830e+01, v0  }
0xd8: {  	v7 =	vld [tilespmem:s6+$0x30];
	v6 =	vmul.f32 $1.131370830e+01, v6;
	[tilespmem:s6+$0xFFFFFF70] =	vst v2  }
0xd9: {  	v2 =	vmul.f32 $1.131370830e+01, v3;
	v3 =	vld [tilespmem:s6+$0x0];
	[tilespmem:s6+$0xFFFFFF90] =	vst v0  }
0xda: {  	v0 =	vmul.f32 $1.131370830e+01, v4;
	v4 =	vld [tilespmem:s6+$0x10];
	[tilespmem:s6+$0xFFFFFFF0] =	vst v6  }
0xdb: {  	[tilespmem:s6+$0xFFFFFFA0] =	vst v2;
	v2 =	vmul.f32 $1.131370830e+01, v5;
	v5 =	vld [tilespmem:s6+$0x20]  }
0xdc: {  	v6 =	vld [tilespmem:s6+$0x80];
	[tilespmem:s6+$0xFFFFFFB0] =	vst v0;
	v0 =	vmul.f32 $1.131370830e+01, v8  }
0xdd: {  	v1 =	vmul.f32 $1.131370830e+01, v1;
	[tilespmem:s6+$0xFFFFFFC0] =	vst v2;
	v2 =	vld [tilespmem:s6+$0x40]  }
0xde: {  	[tilespmem:s6+$0xFFFFFFD0] =	vst v0;
	v0 =	vmul.f32 $1.131370830e+01, v3  }
0xdf: {  	v3 =	vld [tilespmem:s6+$0x50];
	[tilespmem:s6+$0xFFFFFFE0] =	vst v1;
	v4 =	vmul.f32 $1.131370830e+01, v4  }
0xe0: {  	v1 =	vld [tilespmem:s6+$0x60];
	[tilespmem:s6+$0x0] =	vst v0;
	v0 =	vmul.f32 $1.131370830e+01, v5  }
0xe1: {  	v6 =	vmul.f32 $1.131370830e+01, v6;
	v5 =	vld [tilespmem:s6+$0x70];
	[tilespmem:s6+$0x10] =	vst v4  }
0xe2: {  	v4 =	vmul.f32 $1.131370830e+01, v7;
	v7 =	vld [tilespmem:s6+$0x90];
	[tilespmem:s6+$0x20] =	vst v0;
	v0 =	vmul.f32 $1.131370830e+01, v2  }
0xe3: {  	v8 =	vld [tilespmem:s6+$0xA0];
	[tilespmem:s6+$0x80] =	vst v6  }
0xe4: {  	v2 =	vmul.f32 $1.131370830e+01, v3;
	[tilespmem:s6+$0x40] =	vst v0;
	v0 =	vld [tilespmem:s6+$0xB0]  }
0xe5: {  	[tilespmem:s6+$0x30] =	vst v4;
	v3 =	vmul.f32 $1.131370830e+01, v1;
	v1 =	vld [tilespmem:s6+$0xC0]  }
0xe6: {  	[tilespmem:s6+$0x50] =	vst v2;
	v4 =	vmul.f32 $1.131370830e+01, v5;
	v2 =	vld [tilespmem:s6+$0xD0]  }
0xe7: {  	[tilespmem:s6+$0x60] =	vst v3;
	v3 =	vld [tilespmem:s6+$0xE0];
	v5 =	vmul.f32 $1.131370830e+01, v7  }
0xe8: {  	s15 =	simm.s32 $0x0;
	s0 =	simm.s32 $0x9F00;
	v6 =	vmul.f32 $1.131370830e+01, v8;
	[tilespmem:s6+$0x70] =	vst v4;
	v4 =	vld [tilespmem:s6+$0xFFFFFF00]  }
.LBB2_7:
0xe9: {  	v7 =	vld [tilespmem:s0+$0xF0];
	s15 =	sadd.s32 $0x4, s15;
	[tilespmem:s6+$0x90] =	vst v5;
	v0 =	vmul.f32 $1.131370830e+01, v0  }
0xea: {  	v5 =	vld [tilespmem:s0+$0xFFFFFF10];
	p1 =	slt.u32 s15, $0x7C;
	[tilespmem:s6+$0xA0] =	vst v6;
	v1 =	vmul.f32 $1.131370830e+01, v1  }
0xeb: {  	v6 =	vld [tilespmem:s0+$0xFFFFFF20];
	[tilespmem:s6+$0xB0] =	vst v0;
	v0 =	vmul.f32 $1.131370830e+01, v2  }
0xec: {  	v2 =	vld [tilespmem:s0+$0xFFFFFF30];
	[tilespmem:s6+$0xC0] =	vst v1;
	v1 =	vmul.f32 $1.131370830e+01, v3  }
0xed: {  	v3 =	vld [tilespmem:s0+$0xFFFFFF40];
	v4 =	vmul.f32 $1.131370830e+01, v4;
	[tilespmem:s6+$0xD0] =	vst v0  }
0xee: {  	v0 =	vld [tilespmem:s0+$0xFFFFFF50];
	v7 =	vmul.f32 $1.131370830e+01, v7;
	[tilespmem:s6+$0xE0] =	vst v1  }
0xef: {  	v1 =	vmul.f32 $1.131370830e+01, v5;
	v5 =	vld [tilespmem:s0+$0xFFFFFF60];
	[tilespmem:s6+$0xFFFFFF00] =	vst v4;
	s6 =	smov.u32 s0  }
0xf0: {  	v4 =	vmul.f32 $1.131370830e+01, v6;
	v6 =	vld [tilespmem:s0+$0xFFFFFF70];
	[tilespmem:s0+$0xF0] =	vst v7  }
0xf1: {  	[tilespmem:s0+$0xFFFFFF10] =	vst v1;
	v1 =	vmul.f32 $1.131370830e+01, v2;
	v2 =	vld [tilespmem:s0+$0xFFFFFF80]  }
0xf2: {  	[tilespmem:s0+$0xFFFFFF20] =	vst v4;
	v3 =	vmul.f32 $1.131370830e+01, v3;
	v4 =	vld [tilespmem:s0+$0xFFFFFF90]  }
0xf3: {  	[tilespmem:s0+$0xFFFFFF30] =	vst v1;
	v0 =	vmul.f32 $1.131370830e+01, v0;
	v1 =	vld [tilespmem:s0+$0xFFFFFFA0]  }
0xf4: {  	[tilespmem:s0+$0xFFFFFF40] =	vst v3;
	v3 =	vmul.f32 $1.131370830e+01, v5;
	v5 =	vld [tilespmem:s0+$0xFFFFFFB0]  }
0xf5: {  	[tilespmem:s0+$0xFFFFFF50] =	vst v0;
	v0 =	vmul.f32 $1.131370830e+01, v6;
	v6 =	vld [tilespmem:s0+$0xFFFFFFC0]  }
0xf6: {  	[tilespmem:s0+$0xFFFFFF60] =	vst v3;
	v2 =	vmul.f32 $1.131370830e+01, v2;
	v3 =	vld [tilespmem:s0+$0xFFFFFFD0]  }
0xf7: {  	[tilespmem:s0+$0xFFFFFF70] =	vst v0;
	v0 =	vmul.f32 $1.131370830e+01, v4;
	v4 =	vld [tilespmem:s0+$0xFFFFFFE0]  }
0xf8: {  	[tilespmem:s0+$0xFFFFFF80] =	vst v2;
	v1 =	vmul.f32 $1.131370830e+01, v1;
	v2 =	vld [tilespmem:s0+$0xFFFFFFF0]  }
0xf9: {  	[tilespmem:s0+$0xFFFFFF90] =	vst v0;
	v0 =	vmul.f32 $1.131370830e+01, v5;
	v5 =	vld [tilespmem:s0+$0x0]  }
0xfa: {  	[tilespmem:s0+$0xFFFFFFA0] =	vst v1;
	v1 =	vmul.f32 $1.131370830e+01, v6;
	v6 =	vld [tilespmem:s0+$0x10]  }
0xfb: {  	[tilespmem:s0+$0xFFFFFFB0] =	vst v0;
	v0 =	vmul.f32 $1.131370830e+01, v3;
	v3 =	vld [tilespmem:s0+$0x20]  }
0xfc: {  	[tilespmem:s0+$0xFFFFFFC0] =	vst v1;
	v1 =	vmul.f32 $1.131370830e+01, v4;
	v4 =	vld [tilespmem:s0+$0x30]  }
0xfd: {  	[tilespmem:s0+$0xFFFFFFD0] =	vst v0;
	v0 =	vmul.f32 $1.131370830e+01, v2;
	v2 =	vld [tilespmem:s0+$0x40]  }
0xfe: {  	[tilespmem:s0+$0xFFFFFFE0] =	vst v1;
	v1 =	vmul.f32 $1.131370830e+01, v5;
	v5 =	vld [tilespmem:s0+$0x50]  }
0xff: {  	[tilespmem:s0+$0xFFFFFFF0] =	vst v0;
	v0 =	vmul.f32 $1.131370830e+01, v6;
	v6 =	vld [tilespmem:s0+$0x60]  }
0x100: {  	[tilespmem:s0+$0x0] =	vst v1;
	v1 =	vmul.f32 $1.131370830e+01, v3;
	v3 =	vld [tilespmem:s0+$0x70]  }
0x101: {  	[tilespmem:s0+$0x10] =	vst v0;
	v0 =	vmul.f32 $1.131370830e+01, v4;
	v4 =	vld [tilespmem:s0+$0x80]  }
0x102: {  	[tilespmem:s0+$0x20] =	vst v1;
	v1 =	vmul.f32 $1.131370830e+01, v2;
	v7 =	vld [tilespmem:s0+$0x90]  }
0x103: {  	[tilespmem:s0+$0x30] =	vst v0;
	v2 =	vmul.f32 $1.131370830e+01, v5;
	v8 =	vld [tilespmem:s0+$0xA0]  }
.Ltmp2:
0x104: {  	[tilespmem:s0+$0x40] =	vst v1;
	v5 =	vmul.f32 $1.131370830e+01, v6;
	v0 =	vld [tilespmem:s0+$0xB0];
	(pc) =	sbr.rel @p1 .LBB2_7-.Ltmp2, $4  }
0x105: {  	[tilespmem:s0+$0x50] =	vst v2;
	v3 =	vmul.f32 $1.131370830e+01, v3;
	v1 =	vld [tilespmem:s0+$0xC0]  }
0x106: {  	[tilespmem:s0+$0x60] =	vst v5;
	v6 =	vmul.f32 $1.131370830e+01, v4;
	v2 =	vld [tilespmem:s0+$0xD0]  }
0x107: {  	[tilespmem:s0+$0x70] =	vst v3;
	v5 =	vmul.f32 $1.131370830e+01, v7;
	v3 =	vld [tilespmem:s0+$0xE0]  }
0x108: {  	s0 =	sadd.s32 $0x200, s0;
	v4 =	vld [tilespmem:s6+$0xFFFFFF00];
	[tilespmem:s6+$0x80] =	vst v6;
	v6 =	vmul.f32 $1.131370830e+01, v8  }
0x109: {  	[tilespmem:s6+$0x90] =	vst v5;
	v0 =	vmul.f32 $1.131370830e+01, v0  }
0x10a: {  	[tilespmem:s6+$0xA0] =	vst v6;
	v1 =	vmul.f32 $1.131370830e+01, v1  }
0x10b: {  	[tilespmem:s6+$0xB0] =	vst v0;
	v0 =	vmul.f32 $1.131370830e+01, v2  }
0x10c: {  	[tilespmem:s6+$0xC0] =	vst v1;
	v1 =	vmul.f32 $1.131370830e+01, v3  }
0x10d: {  	s0 =	sadd.s32 s8, s7;
	v2 =	vmul.f32 $1.131370830e+01, v4;
	[tilespmem:s6+$0xD0] =	vst v0  }
0x10e: {  	s0 =	sshll.u32 s0, $0x4;
	[tilespmem:s6+$0xE0] =	vst v1  }
0x10f: {  	s0 =	sadd.s32 s3, s0;
	[tilespmem:s6+$0xFFFFFF00] =	vst v2  }
0x110: {  	[hbm4b:s0+s4] =	stream.linear.scatter [tilespmem:s20], [sflag:$0x8], $0x4000, $0x38;
	[tilespmem:$0x15C00] =	vst v63  }
0x111: {  	_ =	swait.ge [sflag:s28], $0x4000  }
0x112: {  	s7 =	simm.s32 @!p0 $0x5C00;
	[sflag:s28] =	ssyncset.done $0x0  }
0x113: {  	s6 =	simm.s32 @!p0 $0x80;
	s0 =	sadd.s32 @!p0 $0x300, s11;
	[sflag:s28] =	ssyncadd.s32 $0xFFFFC000  }
0x114: {  	[tilespmem:s7], [sflag:$0x2] =	stream.indirect.gather @!p0 [hbm4b:s1+s6], $0x80, s0, s6, $0xb8;
	[tilespmem:$0x15C00] =	vst v63  }
0x115: {  	_ =	swait.ge [sflag:s29], $0x4000  }
0x116: {  	[sflag:s29] =	ssyncset.done $0x0  }
0x117: {  	s6 =	simm.s32 $0xDD00;
	[sflag:s29] =	ssyncadd.s32 $0xFFFFC000  }
0x118: {  	v0 =	vld [tilespmem:s6+$0xF0]  }
0x119: {  	v1 =	vld [tilespmem:s6+$0xFFFFFF10]  }
0x11a: {  	v2 =	vld [tilespmem:s6+$0xFFFFFF20]  }
0x11b: {  	v3 =	vld [tilespmem:s6+$0xFFFFFF30]  }
0x11c: {  	v6 =	vld [tilespmem:s6+$0xFFFFFF60]  }
0x11d: {  	v4 =	vld [tilespmem:s6+$0xFFFFFF40]  }
0x11e: {  	v5 =	vld [tilespmem:s6+$0xFFFFFF50];
	v0 =	vmul.f32 $1.131370830e+01, v0  }
0x11f: {  	v8 =	vld [tilespmem:s6+$0xFFFFFF80];
	v1 =	vmul.f32 $1.131370830e+01, v1  }
0x120: {  	v7 =	vld [tilespmem:s6+$0xFFFFFF70];
	v2 =	vmul.f32 $1.131370830e+01, v2;
	[tilespmem:s6+$0xF0] =	vst v0  }
0x121: {  	v6 =	vmul.f32 $1.131370830e+01, v6;
	v0 =	vld [tilespmem:s6+$0xFFFFFF90];
	[tilespmem:s6+$0xFFFFFF10] =	vst v1  }
0x122: {  	v1 =	vmul.f32 $1.131370830e+01, v3;
	v3 =	vld [tilespmem:s6+$0xFFFFFFA0];
	[tilespmem:s6+$0xFFFFFF20] =	vst v2;
	v2 =	vmul.f32 $1.131370830e+01, v4  }
0x123: {  	[tilespmem:s6+$0xFFFFFF60] =	vst v6;
	v6 =	vld [tilespmem:s6+$0xFFFFFFF0]  }
0x124: {  	v4 =	vld [tilespmem:s6+$0xFFFFFFB0];
	[tilespmem:s6+$0xFFFFFF40] =	vst v2;
	v2 =	vmul.f32 $1.131370830e+01, v8  }
0x125: {  	[tilespmem:s6+$0xFFFFFF30] =	vst v1;
	v1 =	vmul.f32 $1.131370830e+01, v5;
	v5 =	vld [tilespmem:s6+$0xFFFFFFC0]  }
0x126: {  	v8 =	vld [tilespmem:s6+$0xFFFFFFD0];
	[tilespmem:s6+$0xFFFFFF80] =	vst v2;
	v2 =	vmul.f32 $1.131370830e+01, v7  }
0x127: {  	[tilespmem:s6+$0xFFFFFF50] =	vst v1;
	v1 =	vld [tilespmem:s6+$0xFFFFFFE0];
	v0 =	vmul.f32 $1.131370830e+01, v0  }
0x128: {  	v7 =	vld [tilespmem:s6+$0x30];
	v6 =	vmul.f32 $1.131370830e+01, v6;
	[tilespmem:s6+$0xFFFFFF70] =	vst v2  }
0x129: {  	v2 =	vmul.f32 $1.131370830e+01, v3;
	v3 =	vld [tilespmem:s6+$0x0];
	[tilespmem:s6+$0xFFFFFF90] =	vst v0  }
0x12a: {  	v0 =	vmul.f32 $1.131370830e+01, v4;
	v4 =	vld [tilespmem:s6+$0x10];
	[tilespmem:s6+$0xFFFFFFF0] =	vst v6  }
0x12b: {  	[tilespmem:s6+$0xFFFFFFA0] =	vst v2;
	v2 =	vmul.f32 $1.131370830e+01, v5;
	v5 =	vld [tilespmem:s6+$0x20]  }
0x12c: {  	v6 =	vld [tilespmem:s6+$0x80];
	[tilespmem:s6+$0xFFFFFFB0] =	vst v0;
	v0 =	vmul.f32 $1.131370830e+01, v8  }
0x12d: {  	v1 =	vmul.f32 $1.131370830e+01, v1;
	[tilespmem:s6+$0xFFFFFFC0] =	vst v2;
	v2 =	vld [tilespmem:s6+$0x40]  }
0x12e: {  	[tilespmem:s6+$0xFFFFFFD0] =	vst v0;
	v0 =	vmul.f32 $1.131370830e+01, v3  }
0x12f: {  	v3 =	vld [tilespmem:s6+$0x50];
	[tilespmem:s6+$0xFFFFFFE0] =	vst v1;
	v4 =	vmul.f32 $1.131370830e+01, v4  }
0x130: {  	v1 =	vld [tilespmem:s6+$0x60];
	[tilespmem:s6+$0x0] =	vst v0;
	v0 =	vmul.f32 $1.131370830e+01, v5  }
0x131: {  	v6 =	vmul.f32 $1.131370830e+01, v6;
	v5 =	vld [tilespmem:s6+$0x70];
	[tilespmem:s6+$0x10] =	vst v4  }
0x132: {  	v4 =	vmul.f32 $1.131370830e+01, v7;
	v7 =	vld [tilespmem:s6+$0x90];
	[tilespmem:s6+$0x20] =	vst v0;
	v0 =	vmul.f32 $1.131370830e+01, v2  }
0x133: {  	v8 =	vld [tilespmem:s6+$0xA0];
	[tilespmem:s6+$0x80] =	vst v6  }
0x134: {  	v2 =	vmul.f32 $1.131370830e+01, v3;
	[tilespmem:s6+$0x40] =	vst v0;
	v0 =	vld [tilespmem:s6+$0xB0]  }
0x135: {  	[tilespmem:s6+$0x30] =	vst v4;
	v3 =	vmul.f32 $1.131370830e+01, v1;
	v1 =	vld [tilespmem:s6+$0xC0]  }
0x136: {  	[tilespmem:s6+$0x50] =	vst v2;
	v4 =	vmul.f32 $1.131370830e+01, v5;
	v2 =	vld [tilespmem:s6+$0xD0]  }
0x137: {  	[tilespmem:s6+$0x60] =	vst v3;
	v3 =	vld [tilespmem:s6+$0xE0];
	v5 =	vmul.f32 $1.131370830e+01, v7  }
0x138: {  	s7 =	simm.s32 $0x0;
	s0 =	simm.s32 $0xDF00;
	v6 =	vmul.f32 $1.131370830e+01, v8;
	[tilespmem:s6+$0x70] =	vst v4;
	v4 =	vld [tilespmem:s6+$0xFFFFFF00]  }
.LBB2_9:
0x139: {  	v7 =	vld [tilespmem:s0+$0xF0];
	s7 =	sadd.s32 $0x4, s7;
	[tilespmem:s6+$0x90] =	vst v5;
	v0 =	vmul.f32 $1.131370830e+01, v0  }
0x13a: {  	v5 =	vld [tilespmem:s0+$0xFFFFFF10];
	p1 =	slt.u32 s7, $0x7C;
	[tilespmem:s6+$0xA0] =	vst v6;
	v1 =	vmul.f32 $1.131370830e+01, v1  }
0x13b: {  	v6 =	vld [tilespmem:s0+$0xFFFFFF20];
	[tilespmem:s6+$0xB0] =	vst v0;
	v0 =	vmul.f32 $1.131370830e+01, v2  }
0x13c: {  	v2 =	vld [tilespmem:s0+$0xFFFFFF30];
	[tilespmem:s6+$0xC0] =	vst v1;
	v1 =	vmul.f32 $1.131370830e+01, v3  }
0x13d: {  	v3 =	vld [tilespmem:s0+$0xFFFFFF40];
	v4 =	vmul.f32 $1.131370830e+01, v4;
	[tilespmem:s6+$0xD0] =	vst v0  }
0x13e: {  	v0 =	vld [tilespmem:s0+$0xFFFFFF50];
	v7 =	vmul.f32 $1.131370830e+01, v7;
	[tilespmem:s6+$0xE0] =	vst v1  }
0x13f: {  	v1 =	vmul.f32 $1.131370830e+01, v5;
	v5 =	vld [tilespmem:s0+$0xFFFFFF60];
	[tilespmem:s6+$0xFFFFFF00] =	vst v4;
	s6 =	smov.u32 s0  }
0x140: {  	v4 =	vmul.f32 $1.131370830e+01, v6;
	v6 =	vld [tilespmem:s0+$0xFFFFFF70];
	[tilespmem:s0+$0xF0] =	vst v7  }
0x141: {  	[tilespmem:s0+$0xFFFFFF10] =	vst v1;
	v1 =	vmul.f32 $1.131370830e+01, v2;
	v2 =	vld [tilespmem:s0+$0xFFFFFF80]  }
0x142: {  	[tilespmem:s0+$0xFFFFFF20] =	vst v4;
	v3 =	vmul.f32 $1.131370830e+01, v3;
	v4 =	vld [tilespmem:s0+$0xFFFFFF90]  }
0x143: {  	[tilespmem:s0+$0xFFFFFF30] =	vst v1;
	v0 =	vmul.f32 $1.131370830e+01, v0;
	v1 =	vld [tilespmem:s0+$0xFFFFFFA0]  }
0x144: {  	[tilespmem:s0+$0xFFFFFF40] =	vst v3;
	v3 =	vmul.f32 $1.131370830e+01, v5;
	v5 =	vld [tilespmem:s0+$0xFFFFFFB0]  }
0x145: {  	[tilespmem:s0+$0xFFFFFF50] =	vst v0;
	v0 =	vmul.f32 $1.131370830e+01, v6;
	v6 =	vld [tilespmem:s0+$0xFFFFFFC0]  }
0x146: {  	[tilespmem:s0+$0xFFFFFF60] =	vst v3;
	v2 =	vmul.f32 $1.131370830e+01, v2;
	v3 =	vld [tilespmem:s0+$0xFFFFFFD0]  }
0x147: {  	[tilespmem:s0+$0xFFFFFF70] =	vst v0;
	v0 =	vmul.f32 $1.131370830e+01, v4;
	v4 =	vld [tilespmem:s0+$0xFFFFFFE0]  }
0x148: {  	[tilespmem:s0+$0xFFFFFF80] =	vst v2;
	v1 =	vmul.f32 $1.131370830e+01, v1;
	v2 =	vld [tilespmem:s0+$0xFFFFFFF0]  }
0x149: {  	[tilespmem:s0+$0xFFFFFF90] =	vst v0;
	v0 =	vmul.f32 $1.131370830e+01, v5;
	v5 =	vld [tilespmem:s0+$0x0]  }
0x14a: {  	[tilespmem:s0+$0xFFFFFFA0] =	vst v1;
	v1 =	vmul.f32 $1.131370830e+01, v6;
	v6 =	vld [tilespmem:s0+$0x10]  }
0x14b: {  	[tilespmem:s0+$0xFFFFFFB0] =	vst v0;
	v0 =	vmul.f32 $1.131370830e+01, v3;
	v3 =	vld [tilespmem:s0+$0x20]  }
0x14c: {  	[tilespmem:s0+$0xFFFFFFC0] =	vst v1;
	v1 =	vmul.f32 $1.131370830e+01, v4;
	v4 =	vld [tilespmem:s0+$0x30]  }
0x14d: {  	[tilespmem:s0+$0xFFFFFFD0] =	vst v0;
	v0 =	vmul.f32 $1.131370830e+01, v2;
	v2 =	vld [tilespmem:s0+$0x40]  }
0x14e: {  	[tilespmem:s0+$0xFFFFFFE0] =	vst v1;
	v1 =	vmul.f32 $1.131370830e+01, v5;
	v5 =	vld [tilespmem:s0+$0x50]  }
0x14f: {  	[tilespmem:s0+$0xFFFFFFF0] =	vst v0;
	v0 =	vmul.f32 $1.131370830e+01, v6;
	v6 =	vld [tilespmem:s0+$0x60]  }
0x150: {  	[tilespmem:s0+$0x0] =	vst v1;
	v1 =	vmul.f32 $1.131370830e+01, v3;
	v3 =	vld [tilespmem:s0+$0x70]  }
0x151: {  	[tilespmem:s0+$0x10] =	vst v0;
	v0 =	vmul.f32 $1.131370830e+01, v4;
	v4 =	vld [tilespmem:s0+$0x80]  }
0x152: {  	[tilespmem:s0+$0x20] =	vst v1;
	v1 =	vmul.f32 $1.131370830e+01, v2;
	v7 =	vld [tilespmem:s0+$0x90]  }
0x153: {  	[tilespmem:s0+$0x30] =	vst v0;
	v2 =	vmul.f32 $1.131370830e+01, v5;
	v8 =	vld [tilespmem:s0+$0xA0]  }
.Ltmp3:
0x154: {  	[tilespmem:s0+$0x40] =	vst v1;
	v5 =	vmul.f32 $1.131370830e+01, v6;
	v0 =	vld [tilespmem:s0+$0xB0];
	(pc) =	sbr.rel @p1 .LBB2_9-.Ltmp3, $4  }
0x155: {  	[tilespmem:s0+$0x50] =	vst v2;
	v3 =	vmul.f32 $1.131370830e+01, v3;
	v1 =	vld [tilespmem:s0+$0xC0]  }
0x156: {  	[tilespmem:s0+$0x60] =	vst v5;
	v6 =	vmul.f32 $1.131370830e+01, v4;
	v2 =	vld [tilespmem:s0+$0xD0]  }
0x157: {  	[tilespmem:s0+$0x70] =	vst v3;
	v5 =	vmul.f32 $1.131370830e+01, v7;
	v3 =	vld [tilespmem:s0+$0xE0]  }
0x158: {  	s0 =	sadd.s32 $0x200, s0;
	v4 =	vld [tilespmem:s6+$0xFFFFFF00];
	[tilespmem:s6+$0x80] =	vst v6;
	v6 =	vmul.f32 $1.131370830e+01, v8  }
0x159: {  	[tilespmem:s6+$0x90] =	vst v5;
	v0 =	vmul.f32 $1.131370830e+01, v0  }
0x15a: {  	[tilespmem:s6+$0xA0] =	vst v6;
	v1 =	vmul.f32 $1.131370830e+01, v1  }
0x15b: {  	[tilespmem:s6+$0xB0] =	vst v0;
	v0 =	vmul.f32 $1.131370830e+01, v2  }
0x15c: {  	[tilespmem:s6+$0xC0] =	vst v1;
	v1 =	vmul.f32 $1.131370830e+01, v3  }
0x15d: {  	v2 =	vmul.f32 $1.131370830e+01, v4;
	[tilespmem:s6+$0xD0] =	vst v0  }
0x15e: {  	s0 =	sshll.u32 s14, $0x10;
	[tilespmem:s6+$0xE0] =	vst v1  }
0x15f: {  	s0 =	sadd.s32 s0, s10;
	[tilespmem:s6+$0xFFFFFF00] =	vst v2  }
0x160: {  	[hbm4b:s0+s4] =	stream.linear.scatter [tilespmem:s21], [sflag:$0x9], $0x4000, $0x38;
	[tilespmem:$0x15C00] =	vst v63  }
0x161: {  	_ =	swait.ge [sflag:s30], $0x4000  }
0x162: {  	s7 =	simm.s32 @!p0 $0x9C00;
	[sflag:s30] =	ssyncset.done $0x0  }
0x163: {  	s6 =	simm.s32 @!p0 $0x80;
	s0 =	sadd.s32 @!p0 $0x380, s11;
	[sflag:s30] =	ssyncadd.s32 $0xFFFFC000  }
0x164: {  	[tilespmem:s7], [sflag:$0x3] =	stream.indirect.gather @!p0 [hbm4b:s1+s6], $0x80, s0, s6, $0xb8;
	[tilespmem:$0x15C00] =	vst v63  }
0x165: {  	_ =	swait.ge [sflag:s31], $0x4000  }
0x166: {  	[sflag:s31] =	ssyncset.done $0x0  }
0x167: {  	s6 =	simm.s32 $0x11D00;
	[sflag:s31] =	ssyncadd.s32 $0xFFFFC000  }
0x168: {  	v0 =	vld [tilespmem:s6+$0xF0]  }
0x169: {  	v1 =	vld [tilespmem:s6+$0xFFFFFF10]  }
0x16a: {  	v2 =	vld [tilespmem:s6+$0xFFFFFF20]  }
0x16b: {  	v3 =	vld [tilespmem:s6+$0xFFFFFF30]  }
0x16c: {  	v6 =	vld [tilespmem:s6+$0xFFFFFF60]  }
0x16d: {  	v4 =	vld [tilespmem:s6+$0xFFFFFF40]  }
0x16e: {  	v5 =	vld [tilespmem:s6+$0xFFFFFF50];
	v0 =	vmul.f32 $1.131370830e+01, v0  }
0x16f: {  	v8 =	vld [tilespmem:s6+$0xFFFFFF80];
	v1 =	vmul.f32 $1.131370830e+01, v1  }
0x170: {  	v7 =	vld [tilespmem:s6+$0xFFFFFF70];
	v2 =	vmul.f32 $1.131370830e+01, v2;
	[tilespmem:s6+$0xF0] =	vst v0  }
0x171: {  	v6 =	vmul.f32 $1.131370830e+01, v6;
	v0 =	vld [tilespmem:s6+$0xFFFFFF90];
	[tilespmem:s6+$0xFFFFFF10] =	vst v1  }
0x172: {  	v1 =	vmul.f32 $1.131370830e+01, v3;
	v3 =	vld [tilespmem:s6+$0xFFFFFFA0];
	[tilespmem:s6+$0xFFFFFF20] =	vst v2;
	v2 =	vmul.f32 $1.131370830e+01, v4  }
0x173: {  	[tilespmem:s6+$0xFFFFFF60] =	vst v6;
	v6 =	vld [tilespmem:s6+$0xFFFFFFF0]  }
0x174: {  	v4 =	vld [tilespmem:s6+$0xFFFFFFB0];
	[tilespmem:s6+$0xFFFFFF40] =	vst v2;
	v2 =	vmul.f32 $1.131370830e+01, v8  }
0x175: {  	[tilespmem:s6+$0xFFFFFF30] =	vst v1;
	v1 =	vmul.f32 $1.131370830e+01, v5;
	v5 =	vld [tilespmem:s6+$0xFFFFFFC0]  }
0x176: {  	v8 =	vld [tilespmem:s6+$0xFFFFFFD0];
	[tilespmem:s6+$0xFFFFFF80] =	vst v2;
	v2 =	vmul.f32 $1.131370830e+01, v7  }
0x177: {  	[tilespmem:s6+$0xFFFFFF50] =	vst v1;
	v1 =	vld [tilespmem:s6+$0xFFFFFFE0];
	v0 =	vmul.f32 $1.131370830e+01, v0  }
0x178: {  	v7 =	vld [tilespmem:s6+$0x30];
	v6 =	vmul.f32 $1.131370830e+01, v6;
	[tilespmem:s6+$0xFFFFFF70] =	vst v2  }
0x179: {  	v2 =	vmul.f32 $1.131370830e+01, v3;
	v3 =	vld [tilespmem:s6+$0x0];
	[tilespmem:s6+$0xFFFFFF90] =	vst v0  }
0x17a: {  	v0 =	vmul.f32 $1.131370830e+01, v4;
	v4 =	vld [tilespmem:s6+$0x10];
	[tilespmem:s6+$0xFFFFFFF0] =	vst v6  }
0x17b: {  	[tilespmem:s6+$0xFFFFFFA0] =	vst v2;
	v2 =	vmul.f32 $1.131370830e+01, v5;
	v5 =	vld [tilespmem:s6+$0x20]  }
0x17c: {  	v6 =	vld [tilespmem:s6+$0x80];
	[tilespmem:s6+$0xFFFFFFB0] =	vst v0;
	v0 =	vmul.f32 $1.131370830e+01, v8  }
0x17d: {  	v1 =	vmul.f32 $1.131370830e+01, v1;
	[tilespmem:s6+$0xFFFFFFC0] =	vst v2;
	v2 =	vld [tilespmem:s6+$0x40]  }
0x17e: {  	[tilespmem:s6+$0xFFFFFFD0] =	vst v0;
	v0 =	vmul.f32 $1.131370830e+01, v3  }
0x17f: {  	v3 =	vld [tilespmem:s6+$0x50];
	[tilespmem:s6+$0xFFFFFFE0] =	vst v1;
	v4 =	vmul.f32 $1.131370830e+01, v4  }
0x180: {  	v1 =	vld [tilespmem:s6+$0x60];
	[tilespmem:s6+$0x0] =	vst v0;
	v0 =	vmul.f32 $1.131370830e+01, v5  }
0x181: {  	v6 =	vmul.f32 $1.131370830e+01, v6;
	v5 =	vld [tilespmem:s6+$0x70];
	[tilespmem:s6+$0x10] =	vst v4  }
0x182: {  	v4 =	vmul.f32 $1.131370830e+01, v7;
	v7 =	vld [tilespmem:s6+$0x90];
	[tilespmem:s6+$0x20] =	vst v0;
	v0 =	vmul.f32 $1.131370830e+01, v2  }
0x183: {  	v8 =	vld [tilespmem:s6+$0xA0];
	[tilespmem:s6+$0x80] =	vst v6  }
0x184: {  	v2 =	vmul.f32 $1.131370830e+01, v3;
	[tilespmem:s6+$0x40] =	vst v0;
	v0 =	vld [tilespmem:s6+$0xB0]  }
0x185: {  	[tilespmem:s6+$0x30] =	vst v4;
	v3 =	vmul.f32 $1.131370830e+01, v1;
	v1 =	vld [tilespmem:s6+$0xC0]  }
0x186: {  	[tilespmem:s6+$0x50] =	vst v2;
	v4 =	vmul.f32 $1.131370830e+01, v5;
	v2 =	vld [tilespmem:s6+$0xD0]  }
0x187: {  	[tilespmem:s6+$0x60] =	vst v3;
	v3 =	vld [tilespmem:s6+$0xE0];
	v5 =	vmul.f32 $1.131370830e+01, v7  }
0x188: {  	s7 =	simm.s32 $0x0;
	s0 =	simm.s32 $0x11F00;
	v6 =	vmul.f32 $1.131370830e+01, v8;
	[tilespmem:s6+$0x70] =	vst v4;
	v4 =	vld [tilespmem:s6+$0xFFFFFF00]  }
.LBB2_11:
0x189: {  	v7 =	vld [tilespmem:s0+$0xF0];
	s7 =	sadd.s32 $0x4, s7;
	[tilespmem:s6+$0x90] =	vst v5;
	v0 =	vmul.f32 $1.131370830e+01, v0  }
0x18a: {  	v5 =	vld [tilespmem:s0+$0xFFFFFF10];
	p0 =	slt.u32 s7, $0x7C;
	[tilespmem:s6+$0xA0] =	vst v6;
	v1 =	vmul.f32 $1.131370830e+01, v1  }
0x18b: {  	v6 =	vld [tilespmem:s0+$0xFFFFFF20];
	[tilespmem:s6+$0xB0] =	vst v0;
	v0 =	vmul.f32 $1.131370830e+01, v2  }
0x18c: {  	v2 =	vld [tilespmem:s0+$0xFFFFFF30];
	[tilespmem:s6+$0xC0] =	vst v1;
	v1 =	vmul.f32 $1.131370830e+01, v3  }
0x18d: {  	v3 =	vld [tilespmem:s0+$0xFFFFFF40];
	v4 =	vmul.f32 $1.131370830e+01, v4;
	[tilespmem:s6+$0xD0] =	vst v0  }
0x18e: {  	v0 =	vld [tilespmem:s0+$0xFFFFFF50];
	v7 =	vmul.f32 $1.131370830e+01, v7;
	[tilespmem:s6+$0xE0] =	vst v1  }
0x18f: {  	v1 =	vmul.f32 $1.131370830e+01, v5;
	v5 =	vld [tilespmem:s0+$0xFFFFFF60];
	[tilespmem:s6+$0xFFFFFF00] =	vst v4;
	s6 =	smov.u32 s0  }
0x190: {  	v4 =	vmul.f32 $1.131370830e+01, v6;
	v6 =	vld [tilespmem:s0+$0xFFFFFF70];
	[tilespmem:s0+$0xF0] =	vst v7  }
0x191: {  	[tilespmem:s0+$0xFFFFFF10] =	vst v1;
	v1 =	vmul.f32 $1.131370830e+01, v2;
	v2 =	vld [tilespmem:s0+$0xFFFFFF80]  }
0x192: {  	[tilespmem:s0+$0xFFFFFF20] =	vst v4;
	v3 =	vmul.f32 $1.131370830e+01, v3;
	v4 =	vld [tilespmem:s0+$0xFFFFFF90]  }
0x193: {  	[tilespmem:s0+$0xFFFFFF30] =	vst v1;
	v0 =	vmul.f32 $1.131370830e+01, v0;
	v1 =	vld [tilespmem:s0+$0xFFFFFFA0]  }
0x194: {  	[tilespmem:s0+$0xFFFFFF40] =	vst v3;
	v3 =	vmul.f32 $1.131370830e+01, v5;
	v5 =	vld [tilespmem:s0+$0xFFFFFFB0]  }
0x195: {  	[tilespmem:s0+$0xFFFFFF50] =	vst v0;
	v0 =	vmul.f32 $1.131370830e+01, v6;
	v6 =	vld [tilespmem:s0+$0xFFFFFFC0]  }
0x196: {  	[tilespmem:s0+$0xFFFFFF60] =	vst v3;
	v2 =	vmul.f32 $1.131370830e+01, v2;
	v3 =	vld [tilespmem:s0+$0xFFFFFFD0]  }
0x197: {  	[tilespmem:s0+$0xFFFFFF70] =	vst v0;
	v0 =	vmul.f32 $1.131370830e+01, v4;
	v4 =	vld [tilespmem:s0+$0xFFFFFFE0]  }
0x198: {  	[tilespmem:s0+$0xFFFFFF80] =	vst v2;
	v1 =	vmul.f32 $1.131370830e+01, v1;
	v2 =	vld [tilespmem:s0+$0xFFFFFFF0]  }
0x199: {  	[tilespmem:s0+$0xFFFFFF90] =	vst v0;
	v0 =	vmul.f32 $1.131370830e+01, v5;
	v5 =	vld [tilespmem:s0+$0x0]  }
0x19a: {  	[tilespmem:s0+$0xFFFFFFA0] =	vst v1;
	v1 =	vmul.f32 $1.131370830e+01, v6;
	v6 =	vld [tilespmem:s0+$0x10]  }
0x19b: {  	[tilespmem:s0+$0xFFFFFFB0] =	vst v0;
	v0 =	vmul.f32 $1.131370830e+01, v3;
	v3 =	vld [tilespmem:s0+$0x20]  }
0x19c: {  	[tilespmem:s0+$0xFFFFFFC0] =	vst v1;
	v1 =	vmul.f32 $1.131370830e+01, v4;
	v4 =	vld [tilespmem:s0+$0x30]  }
0x19d: {  	[tilespmem:s0+$0xFFFFFFD0] =	vst v0;
	v0 =	vmul.f32 $1.131370830e+01, v2;
	v2 =	vld [tilespmem:s0+$0x40]  }
0x19e: {  	[tilespmem:s0+$0xFFFFFFE0] =	vst v1;
	v1 =	vmul.f32 $1.131370830e+01, v5;
	v5 =	vld [tilespmem:s0+$0x50]  }
0x19f: {  	[tilespmem:s0+$0xFFFFFFF0] =	vst v0;
	v0 =	vmul.f32 $1.131370830e+01, v6;
	v6 =	vld [tilespmem:s0+$0x60]  }
0x1a0: {  	[tilespmem:s0+$0x0] =	vst v1;
	v1 =	vmul.f32 $1.131370830e+01, v3;
	v3 =	vld [tilespmem:s0+$0x70]  }
0x1a1: {  	[tilespmem:s0+$0x10] =	vst v0;
	v0 =	vmul.f32 $1.131370830e+01, v4;
	v4 =	vld [tilespmem:s0+$0x80]  }
0x1a2: {  	[tilespmem:s0+$0x20] =	vst v1;
	v1 =	vmul.f32 $1.131370830e+01, v2;
	v7 =	vld [tilespmem:s0+$0x90]  }
0x1a3: {  	[tilespmem:s0+$0x30] =	vst v0;
	v2 =	vmul.f32 $1.131370830e+01, v5;
	v8 =	vld [tilespmem:s0+$0xA0]  }
.Ltmp4:
0x1a4: {  	[tilespmem:s0+$0x40] =	vst v1;
	v5 =	vmul.f32 $1.131370830e+01, v6;
	v0 =	vld [tilespmem:s0+$0xB0];
	(pc) =	sbr.rel @p0 .LBB2_11-.Ltmp4, $4  }
0x1a5: {  	[tilespmem:s0+$0x50] =	vst v2;
	v3 =	vmul.f32 $1.131370830e+01, v3;
	v1 =	vld [tilespmem:s0+$0xC0]  }
0x1a6: {  	[tilespmem:s0+$0x60] =	vst v5;
	v6 =	vmul.f32 $1.131370830e+01, v4;
	v2 =	vld [tilespmem:s0+$0xD0]  }
0x1a7: {  	[tilespmem:s0+$0x70] =	vst v3;
	v5 =	vmul.f32 $1.131370830e+01, v7;
	v3 =	vld [tilespmem:s0+$0xE0]  }
0x1a8: {  	s0 =	sadd.s32 $0x200, s0;
	v4 =	vld [tilespmem:s6+$0xFFFFFF00];
	[tilespmem:s6+$0x80] =	vst v6;
	v6 =	vmul.f32 $1.131370830e+01, v8  }
0x1a9: {  	[tilespmem:s6+$0x90] =	vst v5;
	v0 =	vmul.f32 $1.131370830e+01, v0  }
0x1aa: {  	s13 =	sadd.s32 $0x1, s13;
	[tilespmem:s6+$0xA0] =	vst v6;
	v1 =	vmul.f32 $1.131370830e+01, v1  }
0x1ab: {  	p0 =	sne.s32 s13, $0xA;
	[tilespmem:s6+$0xB0] =	vst v0;
	v61 =	vmul.f32 $1.131370830e+01, v2  }
.Ltmp5:
0x1ac: {  	[tilespmem:s6+$0xC0] =	vst v1;
	v62 =	vmul.f32 $1.131370830e+01, v3;
	(pc) =	sbr.rel @p0 .LBB2_2-.Ltmp5, $4  }
0x1ad: {  	v63 =	vmul.f32 $1.131370830e+01, v4;
	[tilespmem:s6+$0xD0] =	vst v61  }
0x1ae: {  	s0 =	sshll.u32 s19, $0x10;
	[tilespmem:s6+$0xE0] =	vst v62  }
0x1af: {  	s0 =	sadd.s32 s0, s10;
	[tilespmem:s6+$0xFFFFFF00] =	vst v63  }
0x1b0: {  	[hbm4b:s0+s4] =	stream.linear.scatter [tilespmem:s23], [sflag:$0xA], $0x4000, $0x38;
	[tilespmem:$0x15C00] =	vst v63  }
0x1b1: {  	s0 =	simm.s32 $0x9  }
0x1b2: {  	_ =	swait.ge [sflag:s0], $0x4000  }
0x1b3: {  	[sflag:s0] =	ssyncset.done $0x0  }
0x1b4: {  	[sflag:s0] =	ssyncadd.s32 $0xFFFFC000  }
0x1b5: {  	_ =	swait.ge [sflag:s2], $0x4000  }
0x1b6: {  	s12 =	sadd.s32 $0x1, s12;
	s19 =	rddreg [dreg:$0x6]  }
0x1b7: {  	p0 =	sne.s32 s12, s19  }
.Ltmp6:
0x1b8: {  	_ = 	snop;
	(pc) =	sbr.rel @p0 .LBB2_1-.Ltmp6, $3  }
0x1b9: {  	_ =	sdelay $0x1  }
0x1ba: {  	[sflag:s2] =	ssyncset.done $0x0  }
0x1bb: {  	[sflag:s2] =	ssyncadd.s32 $0xFFFFC000  }
0x1bc: {  	_ =	sfence.sel $0x180000  }
0x1bd: {  	[bflag:$0x0] =	sbarrier.arrive $0xFFFF  }
0x1be: {  	_ =	strace $0x90000047  }
0x1bf: {  	s0 =	stileid.u32;
	[bflag:$0x2] =	sbarrier.arrive $0xFFFF  }
0x1c0: {  	p0 =	sne.s32 s0, $0x0;
	s0 =	rddreg [dreg:$0x3]  }
0x1c1: {  	s0 =	sadd.s32 @!p0 $0x100000, s0  }
0x1c2: {  	[sflag:s0] =	ssyncadd.tile.s32 @!p0 $0x1;
	_ =	shalt  }
.Lfunc_end2:
_tile_overlayer_lowered:
.L_overlay_start_2:
0x1c3: {  	(tag) =	ssettag $0x2  }
0x1c4: {  	s0 =	rddreg [dreg:$0x0];
	s2 =	stileid.u32  }
0x1c5: {  	s1 =	rddreg [dreg:$0x1];
	p0 =	sne.s32 s2, $0x0  }
0x1c6: {  	s3 =	rddreg [dreg:$0x2];
	[bflag:$0x3] =	sbarrier.arrive $0xFFFF;
	s2 =	simm.s32 @!p0 $0x1C0B  }
0x1c7: {  	[timem:s3], [sflag:s2] =	dma.local @!p0 [hbm:s0], s1  }
0x1c8: {  	s0 =	simm.s32 @!p0 $0xB  }
0x1c9: {  	_ =	swait.ge @!p0 [sflag:s0], s1  }
0x1ca: {  	s1 =	ssub.s32 @!p0 $0x0, s1;
	[sflag:s0] =	ssyncset.done @!p0 $0x0  }
0x1cb: {  	[sflag:s0] =	ssyncadd.s32 @!p0 s1  }
0x1cc: {  	[bflag:$0x3] =	sbarrier.arrive $0xFFFF  }
0x1cd: {  	_ =	shalt  }

</sc_bundles>
